<compile_context>
chip_gen: v7x
topology: tpu7x:2x2x1
jax: 0.10.2.dev20260603
libtpu: 0.0.44.dev20260713+nightly
codegen_flags: <defaults>
</compile_context>

<pallas_src>
import functools

import jax
import jax.numpy as jnp
from jax import lax
from jax.experimental import pallas as pl
from jax.experimental.pallas import tpu as pltpu
from jax.experimental.pallas import tpu_sc as plsc

N_EDGES = 320000
D = 128
N_NODES = 10000

NC, NS = 2, 16
NW = NC * NS
CH = 128
E_PAD = 327680
E_PER_W = E_PAD // NW
GROUP = 1024
N_GROUPS = E_PER_W // GROUP
IDX_ROWS = E_PAD // CH
IDX_ROWS_PER_W = E_PER_W // CH
FCLAMP = N_EDGES - CH
N_PAD = 10240
ROWS_PER_TILE = N_PAD // NS
N_SUB = ROWS_PER_TILE // CH

_mesh = plsc.VectorSubcoreMesh(core_axis_name="c", subcore_axis_name="s")


@functools.partial(
    pl.kernel,
    out_type=(
        jax.ShapeDtypeStruct((NC * N_PAD, D), jnp.float32),
        jax.ShapeDtypeStruct((NC * N_PAD, D), jnp.float32),
    ),
    mesh=_mesh,
    scratch_types=[
        pltpu.VMEM((IDX_ROWS_PER_W, CH), jnp.int32),
        pltpu.VMEM((CH, D), jnp.float32),
        pltpu.VMEM((CH, D), jnp.float32),
        pltpu.VMEM_SHARED((N_PAD, D), jnp.float32),
        pltpu.SemaphoreType.DMA,
        pltpu.SemaphoreType.DMA,
        pltpu.SemaphoreType.DMA,
        pltpu.SemaphoreType.DMA,
    ],
)
def _scatter_stage(feat_hbm, idx_hbm, zsum_hbm, ones_hbm,
                   sums_out, cnts_out,
                   idx_v, buf0, buf1, acc_sh,
                   sem_d0, sem_d1, sem_s0, sem_s1):
    c = lax.axis_index("c")
    s = lax.axis_index("s")
    wid = s * NC + c
    r0 = pl.multiple_of(s * ROWS_PER_TILE, 8)
    o0 = pl.multiple_of(c * N_PAD + r0, 8)
    iw = pl.multiple_of(wid * IDX_ROWS_PER_W, 8)
    e0 = wid * E_PER_W

    def zero_acc():
        pltpu.sync_copy(zsum_hbm, buf0)
        for k in range(N_SUB):
            pltpu.sync_copy(buf0, acc_sh.at[pl.ds(r0 + k * CH, CH)])

    def write_acc(out_ref):
        bufs = (buf0, buf1)
        sems = (sem_d0, sem_d1)
        h = [None, None]
        for k in range(N_SUB):
            b = k % 2
            if h[b] is not None:
                h[b].wait()
            pltpu.sync_copy(acc_sh.at[pl.ds(r0 + k * CH, CH)], bufs[b])
            h[b] = pltpu.async_copy(bufs[b], out_ref.at[pl.ds(o0 + k * CH, CH)],
                                    sems[b])
        for hh in h:
            if hh is not None:
                hh.wait()

    def fb(j):
        return pl.multiple_of(lax.min(e0 + j * CH, FCLAMP), 8)

    def wait_dma(buf, sem):
        pltpu.make_async_copy(feat_hbm.at[pl.ds(0, CH)], buf, sem).wait()

    pltpu.sync_copy(idx_hbm.at[pl.ds(iw, IDX_ROWS_PER_W)], idx_v)
    zero_acc()
    plsc.subcore_barrier()

    pltpu.async_copy(feat_hbm.at[pl.ds(fb(0), CH)], buf0, sem_d0)
    pltpu.async_copy(feat_hbm.at[pl.ds(fb(1), CH)], buf1, sem_d1)

    def body_sum(t, carry):
        j0 = t * 2
        wait_dma(buf0, sem_d0)
        h0 = pltpu.async_copy(buf0, acc_sh.at[idx_v.at[j0]], sem_s0, add=True)
        wait_dma(buf1, sem_d1)
        h1 = pltpu.async_copy(buf1, acc_sh.at[idx_v.at[j0 + 1]], sem_s1, add=True)
        h0.wait()
        pltpu.async_copy(feat_hbm.at[pl.ds(fb(j0 + 2), CH)], buf0, sem_d0)
        h1.wait()
        pltpu.async_copy(feat_hbm.at[pl.ds(fb(j0 + 3), CH)], buf1, sem_d1)
        return carry

    lax.fori_loop(0, IDX_ROWS_PER_W // 2, body_sum, 0)
    wait_dma(buf0, sem_d0)
    wait_dma(buf1, sem_d1)
    plsc.subcore_barrier()
    write_acc(sums_out)
    plsc.subcore_barrier()

    zero_acc()
    pltpu.sync_copy(ones_hbm, buf1)
    plsc.subcore_barrier()

    def fire_cnt(j):
        return pltpu.async_copy(buf1, acc_sh.at[idx_v.at[j]], sem_s0,
                                add=True)

    def wait_cnt():
        pltpu.make_async_copy(buf1, acc_sh.at[idx_v.at[0]], sem_s0).wait()

    for j in range(8):
        fire_cnt(j)

    def body_cnt(t, carry):
        wait_cnt()
        fire_cnt(t + 8)
        return carry

    lax.fori_loop(0, IDX_ROWS_PER_W - 8, body_cnt, 0)
    for _ in range(8):
        wait_cnt()
    plsc.subcore_barrier()
    write_acc(cnts_out)


_BLK = 1000


def _combine_body(s_ref, c_ref, o_ref):
    total = s_ref[0] + s_ref[1]
    cnt = c_ref[0, :, 0:1] + c_ref[1, :, 0:1]
    mean = total / jnp.maximum(cnt, 1.0)
    o_ref[:, :D] = total
    o_ref[:, D:] = mean


_combine = pl.pallas_call(
    _combine_body,
    grid=(N_NODES // _BLK,),
    in_specs=[
        pl.BlockSpec((NC, _BLK, D), lambda i: (0, i, 0)),
        pl.BlockSpec((NC, _BLK, D), lambda i: (0, i, 0)),
    ],
    out_specs=pl.BlockSpec((_BLK, 2 * D), lambda i: (i, 0)),
    out_shape=jax.ShapeDtypeStruct((N_NODES, 2 * D), jnp.float32),
)


def kernel(features, indices, dim, dim_size):
    del dim, dim_size
    idx_pad = jnp.concatenate(
        [indices, jnp.full((E_PAD - N_EDGES,), N_PAD - 1, jnp.int32)]
    ).reshape(IDX_ROWS, CH)
    zsum = jnp.zeros((CH, D), jnp.float32)
    ones = jnp.ones((CH, D), jnp.float32)
    sums_p, cnts_p = _scatter_stage(features, idx_pad, zsum, ones)
    return _combine(sums_p.reshape(NC, N_PAD, D), cnts_p.reshape(NC, N_PAD, D))

# --- scband reference (transcript-rebuilt; emitter-appended) ---
"""Pipeline reference for scband-abstract-meta-module-40621800685855 (READ-ONLY COPY).

The authoritative reference and input builder live on the scoring server;
editing this copy changes nothing except your own understanding.
"""

import jax, jax.numpy as jnp
import numpy as np

N_EDGES = 320000
D_FEAT = 128
N_NODES = 10000

def setup_inputs(seed: int = 0) -> dict:
    key = jax.random.key(seed)
    k1, k2 = jax.random.split(key)
    features = jax.random.normal(k1, (N_EDGES, D_FEAT), dtype=jnp.float32)
    indices = jax.random.randint(k2, (N_EDGES,), 0, N_NODES, dtype=jnp.int32)
    return {"features": features, "indices": indices, "dim": 0, "dim_size": N_NODES}

def reference(features, indices, dim, dim_size):
    # AbstractMetaModule.multiscatter with two reducers: scatter_sum and scatter_mean.
    # Output is the concatenation of each reduced result along the feature axis,
    # matching the torch loop that writes into slices of a zero-initialized buffer.
    # dim is always 0 for edge->node aggregation (closed over here).
    latent = features.shape[1]
    num_segments = N_NODES
    # reducer 0: scatter sum
    red_sum = jax.ops.segment_sum(features, indices, num_segments=num_segments)
    # reducer 1: scatter mean (empty segments -> 0, matching torch_scatter.scatter_mean)
    counts = jax.ops.segment_sum(jnp.ones((features.shape[0],), dtype=features.dtype), indices, num_segments=num_segments)
    red_mean = red_sum / jnp.maximum(counts, 1.0)[:, None]
    reduced = jnp.concatenate([red_sum, red_mean], axis=1)
    assert reduced.shape == (num_segments, latent * 2)
    dep = (jnp.asarray(dim) * 0 + jnp.asarray(dim_size) * 0).astype(features.dtype)
    reduced = reduced + dep
    return reduced

if __name__ == "__main__":
    import jax
    _d = setup_inputs()
    print(jax.jit(kernel)(*tuple(_d.values())))

</pallas_src>

<mosaic_0001>
#map = affine_map<(d0, d1) -> (0, 0)>
module attributes {stable_mosaic.version = 14 : i64} {
  func.func @_scatter_stage(%arg0: i32, %arg1: i32, %arg2: memref<320000x128xf32, #tpu.memory_space<hbm>>, %arg3: memref<2560x128xi32, #tpu.memory_space<hbm>>, %arg4: memref<128x128xf32, #tpu.memory_space<hbm>>, %arg5: memref<128x128xf32, #tpu.memory_space<hbm>>, %arg6: memref<20480x128xf32, #tpu.memory_space<hbm>>, %arg7: memref<20480x128xf32, #tpu.memory_space<hbm>>, %arg8: memref<80x128xi32, #tpu.memory_space<vmem>>, %arg9: memref<128x128xf32, #tpu.memory_space<vmem>>, %arg10: memref<128x128xf32, #tpu.memory_space<vmem>>, %arg11: memref<10240x128xf32, #tpu.memory_space<vmem_shared>>, %arg12: memref<!tpu.dma_semaphore, #tpu.memory_space<semaphore_mem>>, %arg13: memref<!tpu.dma_semaphore, #tpu.memory_space<semaphore_mem>>, %arg14: memref<!tpu.dma_semaphore, #tpu.memory_space<semaphore_mem>>, %arg15: memref<!tpu.dma_semaphore, #tpu.memory_space<semaphore_mem>>) attributes {dimension_semantics = [#tpu.dimension_semantics<core_parallel>, #tpu.dimension_semantics<subcore_parallel>], iteration_bounds = array<i64: 2, 16>, scalar_prefetch = 0 : i64, scratch_operands = 8 : i64, tpu.core_type = #tpu.core_type<sc_vector_subcore>, window_params = [{transform_indices = #map}, {transform_indices = #map}, {transform_indices = #map}, {transform_indices = #map}, {transform_indices = #map}, {transform_indices = #map}]} {
    %mul3A = arith.constant 2 : i32
    %mul3A_0 = arith.muli %arg1, %mul3A : i32
    %add3A = arith.addi %mul3A_0, %arg0 : i32
    %mul3A_1 = arith.constant 640 : i32
    %mul3A_2 = arith.muli %arg1, %mul3A_1 : i32
    %multiple_of3A = tpu.assume_multiple %mul3A_2, 8 : i32
    %mul3A_3 = arith.constant 10240 : i32
    %mul3A_4 = arith.muli %arg0, %mul3A_3 : i32
    %add3A_5 = arith.addi %mul3A_4, %multiple_of3A : i32
    %multiple_of3A_6 = tpu.assume_multiple %add3A_5, 8 : i32
    %mul3A_7 = arith.constant 80 : i32
    %mul3A_8 = arith.muli %add3A, %mul3A_7 : i32
    %multiple_of3A_9 = tpu.assume_multiple %mul3A_8, 8 : i32
    %mul3A_10 = arith.constant 10240 : i32
    %mul3A_11 = arith.muli %add3A, %mul3A_10 : i32
    "tpu.region"() ({
      %run_scoped3A = tpu.sem_alloc : memref<!tpu.dma_semaphore, #tpu.memory_space<semaphore_mem>>
      %dma_start3A_306 = arith.constant 0 : i32
      %dma_start3A_307 = tpu.memref_slice %arg3[%multiple_of3A_9, %dma_start3A_306] : memref<2560x128xi32, #tpu.memory_space<hbm>> -> memref<80x128xi32, #tpu.memory_space<hbm>>
      %dma_start3A_308 = arith.constant 0 : i32
      %dma_start3A_309 = tpu.memref_slice %arg3[%multiple_of3A_9, %dma_start3A_308] : memref<2560x128xi32, #tpu.memory_space<hbm>> -> memref<80x128xi32, #tpu.memory_space<hbm>>
      tpu.enqueue_dma source(%dma_start3A_309 : memref<80x128xi32, #tpu.memory_space<hbm>>) target(%arg8 : memref<80x128xi32, #tpu.memory_space<vmem>>) target_semaphore(%run_scoped3A : memref<!tpu.dma_semaphore, #tpu.memory_space<semaphore_mem>>)
      %dma_wait3A_310 = arith.constant 0 : i32
      %dma_wait3A_311 = tpu.memref_slice %arg3[%multiple_of3A_9, %dma_wait3A_310] : memref<2560x128xi32, #tpu.memory_space<hbm>> -> memref<80x128xi32, #tpu.memory_space<hbm>>
      %dma_wait3A_312 = arith.constant 0 : i32
      %dma_wait3A_313 = tpu.memref_slice %arg3[%multiple_of3A_9, %dma_wait3A_312] : memref<2560x128xi32, #tpu.memory_space<hbm>> -> memref<80x128xi32, #tpu.memory_space<hbm>>
      tpu.wait_dma2 semaphore(%run_scoped3A : memref<!tpu.dma_semaphore, #tpu.memory_space<semaphore_mem>>) src(%dma_wait3A_313 : memref<80x128xi32, #tpu.memory_space<hbm>>) dst(%arg8 : memref<80x128xi32, #tpu.memory_space<vmem>>)
      tpu.yield
    }) : () -> ()
    "tpu.region"() ({
      %run_scoped3A = tpu.sem_alloc : memref<!tpu.dma_semaphore, #tpu.memory_space<semaphore_mem>>
      tpu.enqueue_dma source(%arg4 : memref<128x128xf32, #tpu.memory_space<hbm>>) target(%arg9 : memref<128x128xf32, #tpu.memory_space<vmem>>) target_semaphore(%run_scoped3A : memref<!tpu.dma_semaphore, #tpu.memory_space<semaphore_mem>>)
      tpu.wait_dma2 semaphore(%run_scoped3A : memref<!tpu.dma_semaphore, #tpu.memory_space<semaphore_mem>>) src(%arg4 : memref<128x128xf32, #tpu.memory_space<hbm>>) dst(%arg9 : memref<128x128xf32, #tpu.memory_space<vmem>>)
      tpu.yield
    }) : () -> ()
    %add3A_12 = arith.constant 0 : i32
    %add3A_13 = arith.addi %multiple_of3A, %add3A_12 : i32
    "tpu.region"() ({
      %run_scoped3A = tpu.sem_alloc : memref<!tpu.dma_semaphore, #tpu.memory_space<semaphore_mem>>
      %dma_start3A_306 = arith.constant 0 : i32
      %dma_start3A_307 = tpu.memref_slice %arg11[%add3A_13, %dma_start3A_306] : memref<10240x128xf32, #tpu.memory_space<vmem_shared>> -> memref<128x128xf32, #tpu.memory_space<vmem_shared>>
      %dma_start3A_308 = arith.constant 0 : i32
      %dma_start3A_309 = tpu.memref_slice %arg11[%add3A_13, %dma_start3A_308] : memref<10240x128xf32, #tpu.memory_space<vmem_shared>> -> memref<128x128xf32, #tpu.memory_space<vmem_shared>>
      tpu.enqueue_dma source(%arg9 : memref<128x128xf32, #tpu.memory_space<vmem>>) target(%dma_start3A_309 : memref<128x128xf32, #tpu.memory_space<vmem_shared>>) target_semaphore(%run_scoped3A : memref<!tpu.dma_semaphore, #tpu.memory_space<semaphore_mem>>)
      %dma_wait3A_310 = arith.constant 0 : i32
      %dma_wait3A_311 = tpu.memref_slice %arg11[%add3A_13, %dma_wait3A_310] : memref<10240x128xf32, #tpu.memory_space<vmem_shared>> -> memref<128x128xf32, #tpu.memory_space<vmem_shared>>
      %dma_wait3A_312 = arith.constant 0 : i32
      %dma_wait3A_313 = tpu.memref_slice %arg11[%add3A_13, %dma_wait3A_312] : memref<10240x128xf32, #tpu.memory_space<vmem_shared>> -> memref<128x128xf32, #tpu.memory_space<vmem_shared>>
      tpu.wait_dma2 semaphore(%run_scoped3A : memref<!tpu.dma_semaphore, #tpu.memory_space<semaphore_mem>>) src(%arg9 : memref<128x128xf32, #tpu.memory_space<vmem>>) dst(%dma_wait3A_313 : memref<128x128xf32, #tpu.memory_space<vmem_shared>>)
      tpu.yield
    }) : () -> ()
    %add3A_14 = arith.constant 128 : i32
    %add3A_15 = arith.addi %multiple_of3A, %add3A_14 : i32
    "tpu.region"() ({
      %run_scoped3A = tpu.sem_alloc : memref<!tpu.dma_semaphore, #tpu.memory_space<semaphore_mem>>
      %dma_start3A_306 = arith.constant 0 : i32
      %dma_start3A_307 = tpu.memref_slice %arg11[%add3A_15, %dma_start3A_306] : memref<10240x128xf32, #tpu.memory_space<vmem_shared>> -> memref<128x128xf32, #tpu.memory_space<vmem_shared>>
      %dma_start3A_308 = arith.constant 0 : i32
      %dma_start3A_309 = tpu.memref_slice %arg11[%add3A_15, %dma_start3A_308] : memref<10240x128xf32, #tpu.memory_space<vmem_shared>> -> memref<128x128xf32, #tpu.memory_space<vmem_shared>>
      tpu.enqueue_dma source(%arg9 : memref<128x128xf32, #tpu.memory_space<vmem>>) target(%dma_start3A_309 : memref<128x128xf32, #tpu.memory_space<vmem_shared>>) target_semaphore(%run_scoped3A : memref<!tpu.dma_semaphore, #tpu.memory_space<semaphore_mem>>)
      %dma_wait3A_310 = arith.constant 0 : i32
      %dma_wait3A_311 = tpu.memref_slice %arg11[%add3A_15, %dma_wait3A_310] : memref<10240x128xf32, #tpu.memory_space<vmem_shared>> -> memref<128x128xf32, #tpu.memory_space<vmem_shared>>
      %dma_wait3A_312 = arith.constant 0 : i32
      %dma_wait3A_313 = tpu.memref_slice %arg11[%add3A_15, %dma_wait3A_312] : memref<10240x128xf32, #tpu.memory_space<vmem_shared>> -> memref<128x128xf32, #tpu.memory_space<vmem_shared>>
      tpu.wait_dma2 semaphore(%run_scoped3A : memref<!tpu.dma_semaphore, #tpu.memory_space<semaphore_mem>>) src(%arg9 : memref<128x128xf32, #tpu.memory_space<vmem>>) dst(%dma_wait3A_313 : memref<128x128xf32, #tpu.memory_space<vmem_shared>>)
      tpu.yield
    }) : () -> ()
    %add3A_16 = arith.constant 256 : i32
    %add3A_17 = arith.addi %multiple_of3A, %add3A_16 : i32
    "tpu.region"() ({
      %run_scoped3A = tpu.sem_alloc : memref<!tpu.dma_semaphore, #tpu.memory_space<semaphore_mem>>
      %dma_start3A_306 = arith.constant 0 : i32
      %dma_start3A_307 = tpu.memref_slice %arg11[%add3A_17, %dma_start3A_306] : memref<10240x128xf32, #tpu.memory_space<vmem_shared>> -> memref<128x128xf32, #tpu.memory_space<vmem_shared>>
      %dma_start3A_308 = arith.constant 0 : i32
      %dma_start3A_309 = tpu.memref_slice %arg11[%add3A_17, %dma_start3A_308] : memref<10240x128xf32, #tpu.memory_space<vmem_shared>> -> memref<128x128xf32, #tpu.memory_space<vmem_shared>>
      tpu.enqueue_dma source(%arg9 : memref<128x128xf32, #tpu.memory_space<vmem>>) target(%dma_start3A_309 : memref<128x128xf32, #tpu.memory_space<vmem_shared>>) target_semaphore(%run_scoped3A : memref<!tpu.dma_semaphore, #tpu.memory_space<semaphore_mem>>)
      %dma_wait3A_310 = arith.constant 0 : i32
      %dma_wait3A_311 = tpu.memref_slice %arg11[%add3A_17, %dma_wait3A_310] : memref<10240x128xf32, #tpu.memory_space<vmem_shared>> -> memref<128x128xf32, #tpu.memory_space<vmem_shared>>
      %dma_wait3A_312 = arith.constant 0 : i32
      %dma_wait3A_313 = tpu.memref_slice %arg11[%add3A_17, %dma_wait3A_312] : memref<10240x128xf32, #tpu.memory_space<vmem_shared>> -> memref<128x128xf32, #tpu.memory_space<vmem_shared>>
      tpu.wait_dma2 semaphore(%run_scoped3A : memref<!tpu.dma_semaphore, #tpu.memory_space<semaphore_mem>>) src(%arg9 : memref<128x128xf32, #tpu.memory_space<vmem>>) dst(%dma_wait3A_313 : memref<128x128xf32, #tpu.memory_space<vmem_shared>>)
      tpu.yield
    }) : () -> ()
    %add3A_18 = arith.constant 384 : i32
    %add3A_19 = arith.addi %multiple_of3A, %add3A_18 : i32
    "tpu.region"() ({
      %run_scoped3A = tpu.sem_alloc : memref<!tpu.dma_semaphore, #tpu.memory_space<semaphore_mem>>
      %dma_start3A_306 = arith.constant 0 : i32
      %dma_start3A_307 = tpu.memref_slice %arg11[%add3A_19, %dma_start3A_306] : memref<10240x128xf32, #tpu.memory_space<vmem_shared>> -> memref<128x128xf32, #tpu.memory_space<vmem_shared>>
      %dma_start3A_308 = arith.constant 0 : i32
      %dma_start3A_309 = tpu.memref_slice %arg11[%add3A_19, %dma_start3A_308] : memref<10240x128xf32, #tpu.memory_space<vmem_shared>> -> memref<128x128xf32, #tpu.memory_space<vmem_shared>>
      tpu.enqueue_dma source(%arg9 : memref<128x128xf32, #tpu.memory_space<vmem>>) target(%dma_start3A_309 : memref<128x128xf32, #tpu.memory_space<vmem_shared>>) target_semaphore(%run_scoped3A : memref<!tpu.dma_semaphore, #tpu.memory_space<semaphore_mem>>)
      %dma_wait3A_310 = arith.constant 0 : i32
      %dma_wait3A_311 = tpu.memref_slice %arg11[%add3A_19, %dma_wait3A_310] : memref<10240x128xf32, #tpu.memory_space<vmem_shared>> -> memref<128x128xf32, #tpu.memory_space<vmem_shared>>
      %dma_wait3A_312 = arith.constant 0 : i32
      %dma_wait3A_313 = tpu.memref_slice %arg11[%add3A_19, %dma_wait3A_312] : memref<10240x128xf32, #tpu.memory_space<vmem_shared>> -> memref<128x128xf32, #tpu.memory_space<vmem_shared>>
      tpu.wait_dma2 semaphore(%run_scoped3A : memref<!tpu.dma_semaphore, #tpu.memory_space<semaphore_mem>>) src(%arg9 : memref<128x128xf32, #tpu.memory_space<vmem>>) dst(%dma_wait3A_313 : memref<128x128xf32, #tpu.memory_space<vmem_shared>>)
      tpu.yield
    }) : () -> ()
    %add3A_20 = arith.constant 512 : i32
    %add3A_21 = arith.addi %multiple_of3A, %add3A_20 : i32
    "tpu.region"() ({
      %run_scoped3A = tpu.sem_alloc : memref<!tpu.dma_semaphore, #tpu.memory_space<semaphore_mem>>
      %dma_start3A_306 = arith.constant 0 : i32
      %dma_start3A_307 = tpu.memref_slice %arg11[%add3A_21, %dma_start3A_306] : memref<10240x128xf32, #tpu.memory_space<vmem_shared>> -> memref<128x128xf32, #tpu.memory_space<vmem_shared>>
      %dma_start3A_308 = arith.constant 0 : i32
      %dma_start3A_309 = tpu.memref_slice %arg11[%add3A_21, %dma_start3A_308] : memref<10240x128xf32, #tpu.memory_space<vmem_shared>> -> memref<128x128xf32, #tpu.memory_space<vmem_shared>>
      tpu.enqueue_dma source(%arg9 : memref<128x128xf32, #tpu.memory_space<vmem>>) target(%dma_start3A_309 : memref<128x128xf32, #tpu.memory_space<vmem_shared>>) target_semaphore(%run_scoped3A : memref<!tpu.dma_semaphore, #tpu.memory_space<semaphore_mem>>)
      %dma_wait3A_310 = arith.constant 0 : i32
      %dma_wait3A_311 = tpu.memref_slice %arg11[%add3A_21, %dma_wait3A_310] : memref<10240x128xf32, #tpu.memory_space<vmem_shared>> -> memref<128x128xf32, #tpu.memory_space<vmem_shared>>
      %dma_wait3A_312 = arith.constant 0 : i32
      %dma_wait3A_313 = tpu.memref_slice %arg11[%add3A_21, %dma_wait3A_312] : memref<10240x128xf32, #tpu.memory_space<vmem_shared>> -> memref<128x128xf32, #tpu.memory_space<vmem_shared>>
      tpu.wait_dma2 semaphore(%run_scoped3A : memref<!tpu.dma_semaphore, #tpu.memory_space<semaphore_mem>>) src(%arg9 : memref<128x128xf32, #tpu.memory_space<vmem>>) dst(%dma_wait3A_313 : memref<128x128xf32, #tpu.memory_space<vmem_shared>>)
      tpu.yield
    }) : () -> ()
    %barrier3A = arith.constant 0 : index
    tpu.barrier barrier_id(%barrier3A)
    %add3A_22 = arith.constant 0 : i32
    %add3A_23 = arith.addi %mul3A_11, %add3A_22 : i32
    %min3A = arith.constant 319872 : i32
    %min3A_24 = arith.minsi %add3A_23, %min3A : i32
    %multiple_of3A_25 = tpu.assume_multiple %min3A_24, 8 : i32
    %dma_start3A = arith.constant 0 : i32
    %dma_start3A_26 = tpu.memref_slice %arg2[%multiple_of3A_25, %dma_start3A] : memref<320000x128xf32, #tpu.memory_space<hbm>> -> memref<128x128xf32, #tpu.memory_space<hbm>>
    %dma_start3A_27 = arith.constant 0 : i32
    %dma_start3A_28 = tpu.memref_slice %arg2[%multiple_of3A_25, %dma_start3A_27] : memref<320000x128xf32, #tpu.memory_space<hbm>> -> memref<128x128xf32, #tpu.memory_space<hbm>>
    tpu.enqueue_dma source(%dma_start3A_28 : memref<128x128xf32, #tpu.memory_space<hbm>>) target(%arg9 : memref<128x128xf32, #tpu.memory_space<vmem>>) target_semaphore(%arg12 : memref<!tpu.dma_semaphore, #tpu.memory_space<semaphore_mem>>)
    %add3A_29 = arith.constant 128 : i32
    %add3A_30 = arith.addi %mul3A_11, %add3A_29 : i32
    %min3A_31 = arith.constant 319872 : i32
    %min3A_32 = arith.minsi %add3A_30, %min3A_31 : i32
    %multiple_of3A_33 = tpu.assume_multiple %min3A_32, 8 : i32
    %dma_start3A_34 = arith.constant 0 : i32
    %dma_start3A_35 = tpu.memref_slice %arg2[%multiple_of3A_33, %dma_start3A_34] : memref<320000x128xf32, #tpu.memory_space<hbm>> -> memref<128x128xf32, #tpu.memory_space<hbm>>
    %dma_start3A_36 = arith.constant 0 : i32
    %dma_start3A_37 = tpu.memref_slice %arg2[%multiple_of3A_33, %dma_start3A_36] : memref<320000x128xf32, #tpu.memory_space<hbm>> -> memref<128x128xf32, #tpu.memory_space<hbm>>
    tpu.enqueue_dma source(%dma_start3A_37 : memref<128x128xf32, #tpu.memory_space<hbm>>) target(%arg10 : memref<128x128xf32, #tpu.memory_space<vmem>>) target_semaphore(%arg13 : memref<!tpu.dma_semaphore, #tpu.memory_space<semaphore_mem>>)
    %scan3A = arith.constant 0 : i32
    %scan3A_38 = arith.constant 0 : i32
    %scan3A_39 = arith.constant 40 : i32
    %scan3A_40 = arith.addi %scan3A_38, %scan3A_39 : i32
    %scan3A_41 = arith.constant 1 : i32
    scf.for %scan3A_306 = %scan3A_38 to %scan3A_40 step %scan3A_41  : i32 {
      %mul3A_307 = arith.constant 2 : i32
      %mul3A_308 = arith.muli %scan3A_306, %mul3A_307 : i32
      %dma_wait3A_309 = arith.constant 0 : i32
      %dma_wait3A_310 = arith.constant 0 : i32
      %dma_wait3A_311 = tpu.memref_slice %arg2[%dma_wait3A_309, %dma_wait3A_310] : memref<320000x128xf32, #tpu.memory_space<hbm>> -> memref<128x128xf32, #tpu.memory_space<hbm>>
      %dma_wait3A_312 = arith.constant 0 : i32
      %dma_wait3A_313 = arith.constant 0 : i32
      %dma_wait3A_314 = tpu.memref_slice %arg2[%dma_wait3A_312, %dma_wait3A_313] : memref<320000x128xf32, #tpu.memory_space<hbm>> -> memref<128x128xf32, #tpu.memory_space<hbm>>
      tpu.wait_dma2 semaphore(%arg12 : memref<!tpu.dma_semaphore, #tpu.memory_space<semaphore_mem>>) src(%dma_wait3A_314 : memref<128x128xf32, #tpu.memory_space<hbm>>) dst(%arg9 : memref<128x128xf32, #tpu.memory_space<vmem>>)
      %dma_start3A_315 = arith.constant 0 : i32
      %dma_start3A_316 = tpu.memref_slice %arg8[%mul3A_308, %dma_start3A_315] : memref<80x128xi32, #tpu.memory_space<vmem>> -> memref<1x128xi32, #tpu.memory_space<vmem>>
      %dma_start3A_317 = tpu.memref_squeeze %dma_start3A_316 : memref<1x128xi32, #tpu.memory_space<vmem>> -> memref<128xi32, #tpu.memory_space<vmem>>
      %dma_start3A_318 = arith.constant 0 : i32
      %dma_start3A_319 = arith.constant 0 : i32
      %dma_start3A_320 = tpu.memref_slice %arg11[%dma_start3A_318, %dma_start3A_319] : memref<10240x128xf32, #tpu.memory_space<vmem_shared>> -> memref<10240x128xf32, #tpu.memory_space<vmem_shared>>
      tpu.enqueue_indirect_dma source(%arg9 : memref<128x128xf32, #tpu.memory_space<vmem>>) target(%dma_start3A_320 : memref<10240x128xf32, #tpu.memory_space<vmem_shared>>) offsets(%dma_start3A_317 : memref<128xi32, #tpu.memory_space<vmem>>) semaphore(%arg14 : memref<!tpu.dma_semaphore, #tpu.memory_space<semaphore_mem>>) {add = true}
      %dma_wait3A_321 = arith.constant 0 : i32
      %dma_wait3A_322 = arith.constant 0 : i32
      %dma_wait3A_323 = tpu.memref_slice %arg2[%dma_wait3A_321, %dma_wait3A_322] : memref<320000x128xf32, #tpu.memory_space<hbm>> -> memref<128x128xf32, #tpu.memory_space<hbm>>
      %dma_wait3A_324 = arith.constant 0 : i32
      %dma_wait3A_325 = arith.constant 0 : i32
      %dma_wait3A_326 = tpu.memref_slice %arg2[%dma_wait3A_324, %dma_wait3A_325] : memref<320000x128xf32, #tpu.memory_space<hbm>> -> memref<128x128xf32, #tpu.memory_space<hbm>>
      tpu.wait_dma2 semaphore(%arg13 : memref<!tpu.dma_semaphore, #tpu.memory_space<semaphore_mem>>) src(%dma_wait3A_326 : memref<128x128xf32, #tpu.memory_space<hbm>>) dst(%arg10 : memref<128x128xf32, #tpu.memory_space<vmem>>)
      %add3A_327 = arith.constant 1 : i32
      %add3A_328 = arith.addi %mul3A_308, %add3A_327 : i32
      %dma_start3A_329 = arith.constant 0 : i32
      %dma_start3A_330 = tpu.memref_slice %arg8[%add3A_328, %dma_start3A_329] : memref<80x128xi32, #tpu.memory_space<vmem>> -> memref<1x128xi32, #tpu.memory_space<vmem>>
      %dma_start3A_331 = tpu.memref_squeeze %dma_start3A_330 : memref<1x128xi32, #tpu.memory_space<vmem>> -> memref<128xi32, #tpu.memory_space<vmem>>
      %dma_start3A_332 = arith.constant 0 : i32
      %dma_start3A_333 = arith.constant 0 : i32
      %dma_start3A_334 = tpu.memref_slice %arg11[%dma_start3A_332, %dma_start3A_333] : memref<10240x128xf32, #tpu.memory_space<vmem_shared>> -> memref<10240x128xf32, #tpu.memory_space<vmem_shared>>
      tpu.enqueue_indirect_dma source(%arg10 : memref<128x128xf32, #tpu.memory_space<vmem>>) target(%dma_start3A_334 : memref<10240x128xf32, #tpu.memory_space<vmem_shared>>) offsets(%dma_start3A_331 : memref<128xi32, #tpu.memory_space<vmem>>) semaphore(%arg15 : memref<!tpu.dma_semaphore, #tpu.memory_space<semaphore_mem>>) {add = true}
      %dma_wait3A_335 = arith.constant 0 : i32
      %dma_wait3A_336 = tpu.memref_slice %arg8[%mul3A_308, %dma_wait3A_335] : memref<80x128xi32, #tpu.memory_space<vmem>> -> memref<1x128xi32, #tpu.memory_space<vmem>>
      %dma_wait3A_337 = tpu.memref_squeeze %dma_wait3A_336 : memref<1x128xi32, #tpu.memory_space<vmem>> -> memref<128xi32, #tpu.memory_space<vmem>>
      %dma_wait3A_338 = arith.constant 0 : i32
      %dma_wait3A_339 = arith.constant 0 : i32
      %dma_wait3A_340 = tpu.memref_slice %arg11[%dma_wait3A_338, %dma_wait3A_339] : memref<10240x128xf32, #tpu.memory_space<vmem_shared>> -> memref<10240x128xf32, #tpu.memory_space<vmem_shared>>
      tpu.wait_indirect_dma semaphore(%arg14 : memref<!tpu.dma_semaphore, #tpu.memory_space<semaphore_mem>>) src(%arg9 : memref<128x128xf32, #tpu.memory_space<vmem>>) dst(%dma_wait3A_340 : memref<10240x128xf32, #tpu.memory_space<vmem_shared>>)
      %add3A_341 = arith.constant 2 : i32
      %add3A_342 = arith.addi %mul3A_308, %add3A_341 : i32
      %mul3A_343 = arith.constant 128 : i32
      %mul3A_344 = arith.muli %add3A_342, %mul3A_343 : i32
      %add3A_345 = arith.addi %mul3A_11, %mul3A_344 : i32
      %min3A_346 = arith.constant 319872 : i32
      %min3A_347 = arith.minsi %add3A_345, %min3A_346 : i32
      %multiple_of3A_348 = tpu.assume_multiple %min3A_347, 8 : i32
      %dma_start3A_349 = arith.constant 0 : i32
      %dma_start3A_350 = tpu.memref_slice %arg2[%multiple_of3A_348, %dma_start3A_349] : memref<320000x128xf32, #tpu.memory_space<hbm>> -> memref<128x128xf32, #tpu.memory_space<hbm>>
      %dma_start3A_351 = arith.constant 0 : i32
      %dma_start3A_352 = tpu.memref_slice %arg2[%multiple_of3A_348, %dma_start3A_351] : memref<320000x128xf32, #tpu.memory_space<hbm>> -> memref<128x128xf32, #tpu.memory_space<hbm>>
      tpu.enqueue_dma source(%dma_start3A_352 : memref<128x128xf32, #tpu.memory_space<hbm>>) target(%arg9 : memref<128x128xf32, #tpu.memory_space<vmem>>) target_semaphore(%arg12 : memref<!tpu.dma_semaphore, #tpu.memory_space<semaphore_mem>>)
      %dma_wait3A_353 = arith.constant 0 : i32
      %dma_wait3A_354 = tpu.memref_slice %arg8[%add3A_328, %dma_wait3A_353] : memref<80x128xi32, #tpu.memory_space<vmem>> -> memref<1x128xi32, #tpu.memory_space<vmem>>
      %dma_wait3A_355 = tpu.memref_squeeze %dma_wait3A_354 : memref<1x128xi32, #tpu.memory_space<vmem>> -> memref<128xi32, #tpu.memory_space<vmem>>
      %dma_wait3A_356 = arith.constant 0 : i32
      %dma_wait3A_357 = arith.constant 0 : i32
      %dma_wait3A_358 = tpu.memref_slice %arg11[%dma_wait3A_356, %dma_wait3A_357] : memref<10240x128xf32, #tpu.memory_space<vmem_shared>> -> memref<10240x128xf32, #tpu.memory_space<vmem_shared>>
      tpu.wait_indirect_dma semaphore(%arg15 : memref<!tpu.dma_semaphore, #tpu.memory_space<semaphore_mem>>) src(%arg10 : memref<128x128xf32, #tpu.memory_space<vmem>>) dst(%dma_wait3A_358 : memref<10240x128xf32, #tpu.memory_space<vmem_shared>>)
      %add3A_359 = arith.constant 3 : i32
      %add3A_360 = arith.addi %mul3A_308, %add3A_359 : i32
      %mul3A_361 = arith.constant 128 : i32
      %mul3A_362 = arith.muli %add3A_360, %mul3A_361 : i32
      %add3A_363 = arith.addi %mul3A_11, %mul3A_362 : i32
      %min3A_364 = arith.constant 319872 : i32
      %min3A_365 = arith.minsi %add3A_363, %min3A_364 : i32
      %multiple_of3A_366 = tpu.assume_multiple %min3A_365, 8 : i32
      %dma_start3A_367 = arith.constant 0 : i32
      %dma_start3A_368 = tpu.memref_slice %arg2[%multiple_of3A_366, %dma_start3A_367] : memref<320000x128xf32, #tpu.memory_space<hbm>> -> memref<128x128xf32, #tpu.memory_space<hbm>>
      %dma_start3A_369 = arith.constant 0 : i32
      %dma_start3A_370 = tpu.memref_slice %arg2[%multiple_of3A_366, %dma_start3A_369] : memref<320000x128xf32, #tpu.memory_space<hbm>> -> memref<128x128xf32, #tpu.memory_space<hbm>>
      tpu.enqueue_dma source(%dma_start3A_370 : memref<128x128xf32, #tpu.memory_space<hbm>>) target(%arg10 : memref<128x128xf32, #tpu.memory_space<vmem>>) target_semaphore(%arg13 : memref<!tpu.dma_semaphore, #tpu.memory_space<semaphore_mem>>)
    }
    %scan3A_42 = arith.constant 40 : i32
    %dma_wait3A = arith.constant 0 : i32
    %dma_wait3A_43 = arith.constant 0 : i32
    %dma_wait3A_44 = tpu.memref_slice %arg2[%dma_wait3A, %dma_wait3A_43] : memref<320000x128xf32, #tpu.memory_space<hbm>> -> memref<128x128xf32, #tpu.memory_space<hbm>>
    %dma_wait3A_45 = arith.constant 0 : i32
    %dma_wait3A_46 = arith.constant 0 : i32
    %dma_wait3A_47 = tpu.memref_slice %arg2[%dma_wait3A_45, %dma_wait3A_46] : memref<320000x128xf32, #tpu.memory_space<hbm>> -> memref<128x128xf32, #tpu.memory_space<hbm>>
    tpu.wait_dma2 semaphore(%arg12 : memref<!tpu.dma_semaphore, #tpu.memory_space<semaphore_mem>>) src(%dma_wait3A_47 : memref<128x128xf32, #tpu.memory_space<hbm>>) dst(%arg9 : memref<128x128xf32, #tpu.memory_space<vmem>>)
    %dma_wait3A_48 = arith.constant 0 : i32
    %dma_wait3A_49 = arith.constant 0 : i32
    %dma_wait3A_50 = tpu.memref_slice %arg2[%dma_wait3A_48, %dma_wait3A_49] : memref<320000x128xf32, #tpu.memory_space<hbm>> -> memref<128x128xf32, #tpu.memory_space<hbm>>
    %dma_wait3A_51 = arith.constant 0 : i32
    %dma_wait3A_52 = arith.constant 0 : i32
    %dma_wait3A_53 = tpu.memref_slice %arg2[%dma_wait3A_51, %dma_wait3A_52] : memref<320000x128xf32, #tpu.memory_space<hbm>> -> memref<128x128xf32, #tpu.memory_space<hbm>>
    tpu.wait_dma2 semaphore(%arg13 : memref<!tpu.dma_semaphore, #tpu.memory_space<semaphore_mem>>) src(%dma_wait3A_53 : memref<128x128xf32, #tpu.memory_space<hbm>>) dst(%arg10 : memref<128x128xf32, #tpu.memory_space<vmem>>)
    %barrier3A_54 = arith.constant 0 : index
    tpu.barrier barrier_id(%barrier3A_54)
    %add3A_55 = arith.constant 0 : i32
    %add3A_56 = arith.addi %multiple_of3A, %add3A_55 : i32
    "tpu.region"() ({
      %run_scoped3A = tpu.sem_alloc : memref<!tpu.dma_semaphore, #tpu.memory_space<semaphore_mem>>
      %dma_start3A_306 = arith.constant 0 : i32
      %dma_start3A_307 = tpu.memref_slice %arg11[%add3A_56, %dma_start3A_306] : memref<10240x128xf32, #tpu.memory_space<vmem_shared>> -> memref<128x128xf32, #tpu.memory_space<vmem_shared>>
      %dma_start3A_308 = arith.constant 0 : i32
      %dma_start3A_309 = tpu.memref_slice %arg11[%add3A_56, %dma_start3A_308] : memref<10240x128xf32, #tpu.memory_space<vmem_shared>> -> memref<128x128xf32, #tpu.memory_space<vmem_shared>>
      tpu.enqueue_dma source(%dma_start3A_309 : memref<128x128xf32, #tpu.memory_space<vmem_shared>>) target(%arg9 : memref<128x128xf32, #tpu.memory_space<vmem>>) target_semaphore(%run_scoped3A : memref<!tpu.dma_semaphore, #tpu.memory_space<semaphore_mem>>)
      %dma_wait3A_310 = arith.constant 0 : i32
      %dma_wait3A_311 = tpu.memref_slice %arg11[%add3A_56, %dma_wait3A_310] : memref<10240x128xf32, #tpu.memory_space<vmem_shared>> -> memref<128x128xf32, #tpu.memory_space<vmem_shared>>
      %dma_wait3A_312 = arith.constant 0 : i32
      %dma_wait3A_313 = tpu.memref_slice %arg11[%add3A_56, %dma_wait3A_312] : memref<10240x128xf32, #tpu.memory_space<vmem_shared>> -> memref<128x128xf32, #tpu.memory_space<vmem_shared>>
      tpu.wait_dma2 semaphore(%run_scoped3A : memref<!tpu.dma_semaphore, #tpu.memory_space<semaphore_mem>>) src(%dma_wait3A_313 : memref<128x128xf32, #tpu.memory_space<vmem_shared>>) dst(%arg9 : memref<128x128xf32, #tpu.memory_space<vmem>>)
      tpu.yield
    }) : () -> ()
    %add3A_57 = arith.constant 0 : i32
    %add3A_58 = arith.addi %multiple_of3A_6, %add3A_57 : i32
    %dma_start3A_59 = arith.constant 0 : i32
    %dma_start3A_60 = tpu.memref_slice %arg6[%add3A_58, %dma_start3A_59] : memref<20480x128xf32, #tpu.memory_space<hbm>> -> memref<128x128xf32, #tpu.memory_space<hbm>>
    %dma_start3A_61 = arith.constant 0 : i32
    %dma_start3A_62 = tpu.memref_slice %arg6[%add3A_58, %dma_start3A_61] : memref<20480x128xf32, #tpu.memory_space<hbm>> -> memref<128x128xf32, #tpu.memory_space<hbm>>
    tpu.enqueue_dma source(%arg9 : memref<128x128xf32, #tpu.memory_space<vmem>>) target(%dma_start3A_62 : memref<128x128xf32, #tpu.memory_space<hbm>>) target_semaphore(%arg12 : memref<!tpu.dma_semaphore, #tpu.memory_space<semaphore_mem>>)
    %add3A_63 = arith.constant 128 : i32
    %add3A_64 = arith.addi %multiple_of3A, %add3A_63 : i32
    "tpu.region"() ({
      %run_scoped3A = tpu.sem_alloc : memref<!tpu.dma_semaphore, #tpu.memory_space<semaphore_mem>>
      %dma_start3A_306 = arith.constant 0 : i32
      %dma_start3A_307 = tpu.memref_slice %arg11[%add3A_64, %dma_start3A_306] : memref<10240x128xf32, #tpu.memory_space<vmem_shared>> -> memref<128x128xf32, #tpu.memory_space<vmem_shared>>
      %dma_start3A_308 = arith.constant 0 : i32
      %dma_start3A_309 = tpu.memref_slice %arg11[%add3A_64, %dma_start3A_308] : memref<10240x128xf32, #tpu.memory_space<vmem_shared>> -> memref<128x128xf32, #tpu.memory_space<vmem_shared>>
      tpu.enqueue_dma source(%dma_start3A_309 : memref<128x128xf32, #tpu.memory_space<vmem_shared>>) target(%arg10 : memref<128x128xf32, #tpu.memory_space<vmem>>) target_semaphore(%run_scoped3A : memref<!tpu.dma_semaphore, #tpu.memory_space<semaphore_mem>>)
      %dma_wait3A_310 = arith.constant 0 : i32
      %dma_wait3A_311 = tpu.memref_slice %arg11[%add3A_64, %dma_wait3A_310] : memref<10240x128xf32, #tpu.memory_space<vmem_shared>> -> memref<128x128xf32, #tpu.memory_space<vmem_shared>>
      %dma_wait3A_312 = arith.constant 0 : i32
      %dma_wait3A_313 = tpu.memref_slice %arg11[%add3A_64, %dma_wait3A_312] : memref<10240x128xf32, #tpu.memory_space<vmem_shared>> -> memref<128x128xf32, #tpu.memory_space<vmem_shared>>
      tpu.wait_dma2 semaphore(%run_scoped3A : memref<!tpu.dma_semaphore, #tpu.memory_space<semaphore_mem>>) src(%dma_wait3A_313 : memref<128x128xf32, #tpu.memory_space<vmem_shared>>) dst(%arg10 : memref<128x128xf32, #tpu.memory_space<vmem>>)
      tpu.yield
    }) : () -> ()
    %add3A_65 = arith.constant 128 : i32
    %add3A_66 = arith.addi %multiple_of3A_6, %add3A_65 : i32
    %dma_start3A_67 = arith.constant 0 : i32
    %dma_start3A_68 = tpu.memref_slice %arg6[%add3A_66, %dma_start3A_67] : memref<20480x128xf32, #tpu.memory_space<hbm>> -> memref<128x128xf32, #tpu.memory_space<hbm>>
    %dma_start3A_69 = arith.constant 0 : i32
    %dma_start3A_70 = tpu.memref_slice %arg6[%add3A_66, %dma_start3A_69] : memref<20480x128xf32, #tpu.memory_space<hbm>> -> memref<128x128xf32, #tpu.memory_space<hbm>>
    tpu.enqueue_dma source(%arg10 : memref<128x128xf32, #tpu.memory_space<vmem>>) target(%dma_start3A_70 : memref<128x128xf32, #tpu.memory_space<hbm>>) target_semaphore(%arg13 : memref<!tpu.dma_semaphore, #tpu.memory_space<semaphore_mem>>)
    %dma_wait3A_71 = arith.constant 0 : i32
    %dma_wait3A_72 = tpu.memref_slice %arg6[%add3A_58, %dma_wait3A_71] : memref<20480x128xf32, #tpu.memory_space<hbm>> -> memref<128x128xf32, #tpu.memory_space<hbm>>
    %dma_wait3A_73 = arith.constant 0 : i32
    %dma_wait3A_74 = tpu.memref_slice %arg6[%add3A_58, %dma_wait3A_73] : memref<20480x128xf32, #tpu.memory_space<hbm>> -> memref<128x128xf32, #tpu.memory_space<hbm>>
    tpu.wait_dma2 semaphore(%arg12 : memref<!tpu.dma_semaphore, #tpu.memory_space<semaphore_mem>>) src(%arg9 : memref<128x128xf32, #tpu.memory_space<vmem>>) dst(%dma_wait3A_74 : memref<128x128xf32, #tpu.memory_space<hbm>>)
    %add3A_75 = arith.constant 256 : i32
    %add3A_76 = arith.addi %multiple_of3A, %add3A_75 : i32
    "tpu.region"() ({
      %run_scoped3A = tpu.sem_alloc : memref<!tpu.dma_semaphore, #tpu.memory_space<semaphore_mem>>
      %dma_start3A_306 = arith.constant 0 : i32
      %dma_start3A_307 = tpu.memref_slice %arg11[%add3A_76, %dma_start3A_306] : memref<10240x128xf32, #tpu.memory_space<vmem_shared>> -> memref<128x128xf32, #tpu.memory_space<vmem_shared>>
      %dma_start3A_308 = arith.constant 0 : i32
      %dma_start3A_309 = tpu.memref_slice %arg11[%add3A_76, %dma_start3A_308] : memref<10240x128xf32, #tpu.memory_space<vmem_shared>> -> memref<128x128xf32, #tpu.memory_space<vmem_shared>>
      tpu.enqueue_dma source(%dma_start3A_309 : memref<128x128xf32, #tpu.memory_space<vmem_shared>>) target(%arg9 : memref<128x128xf32, #tpu.memory_space<vmem>>) target_semaphore(%run_scoped3A : memref<!tpu.dma_semaphore, #tpu.memory_space<semaphore_mem>>)
      %dma_wait3A_310 = arith.constant 0 : i32
      %dma_wait3A_311 = tpu.memref_slice %arg11[%add3A_76, %dma_wait3A_310] : memref<10240x128xf32, #tpu.memory_space<vmem_shared>> -> memref<128x128xf32, #tpu.memory_space<vmem_shared>>
      %dma_wait3A_312 = arith.constant 0 : i32
      %dma_wait3A_313 = tpu.memref_slice %arg11[%add3A_76, %dma_wait3A_312] : memref<10240x128xf32, #tpu.memory_space<vmem_shared>> -> memref<128x128xf32, #tpu.memory_space<vmem_shared>>
      tpu.wait_dma2 semaphore(%run_scoped3A : memref<!tpu.dma_semaphore, #tpu.memory_space<semaphore_mem>>) src(%dma_wait3A_313 : memref<128x128xf32, #tpu.memory_space<vmem_shared>>) dst(%arg9 : memref<128x128xf32, #tpu.memory_space<vmem>>)
      tpu.yield
    }) : () -> ()
    %add3A_77 = arith.constant 256 : i32
    %add3A_78 = arith.addi %multiple_of3A_6, %add3A_77 : i32
    %dma_start3A_79 = arith.constant 0 : i32
    %dma_start3A_80 = tpu.memref_slice %arg6[%add3A_78, %dma_start3A_79] : memref<20480x128xf32, #tpu.memory_space<hbm>> -> memref<128x128xf32, #tpu.memory_space<hbm>>
    %dma_start3A_81 = arith.constant 0 : i32
    %dma_start3A_82 = tpu.memref_slice %arg6[%add3A_78, %dma_start3A_81] : memref<20480x128xf32, #tpu.memory_space<hbm>> -> memref<128x128xf32, #tpu.memory_space<hbm>>
    tpu.enqueue_dma source(%arg9 : memref<128x128xf32, #tpu.memory_space<vmem>>) target(%dma_start3A_82 : memref<128x128xf32, #tpu.memory_space<hbm>>) target_semaphore(%arg12 : memref<!tpu.dma_semaphore, #tpu.memory_space<semaphore_mem>>)
    %dma_wait3A_83 = arith.constant 0 : i32
    %dma_wait3A_84 = tpu.memref_slice %arg6[%add3A_66, %dma_wait3A_83] : memref<20480x128xf32, #tpu.memory_space<hbm>> -> memref<128x128xf32, #tpu.memory_space<hbm>>
    %dma_wait3A_85 = arith.constant 0 : i32
    %dma_wait3A_86 = tpu.memref_slice %arg6[%add3A_66, %dma_wait3A_85] : memref<20480x128xf32, #tpu.memory_space<hbm>> -> memref<128x128xf32, #tpu.memory_space<hbm>>
    tpu.wait_dma2 semaphore(%arg13 : memref<!tpu.dma_semaphore, #tpu.memory_space<semaphore_mem>>) src(%arg10 : memref<128x128xf32, #tpu.memory_space<vmem>>) dst(%dma_wait3A_86 : memref<128x128xf32, #tpu.memory_space<hbm>>)
    %add3A_87 = arith.constant 384 : i32
    %add3A_88 = arith.addi %multiple_of3A, %add3A_87 : i32
    "tpu.region"() ({
      %run_scoped3A = tpu.sem_alloc : memref<!tpu.dma_semaphore, #tpu.memory_space<semaphore_mem>>
      %dma_start3A_306 = arith.constant 0 : i32
      %dma_start3A_307 = tpu.memref_slice %arg11[%add3A_88, %dma_start3A_306] : memref<10240x128xf32, #tpu.memory_space<vmem_shared>> -> memref<128x128xf32, #tpu.memory_space<vmem_shared>>
      %dma_start3A_308 = arith.constant 0 : i32
      %dma_start3A_309 = tpu.memref_slice %arg11[%add3A_88, %dma_start3A_308] : memref<10240x128xf32, #tpu.memory_space<vmem_shared>> -> memref<128x128xf32, #tpu.memory_space<vmem_shared>>
      tpu.enqueue_dma source(%dma_start3A_309 : memref<128x128xf32, #tpu.memory_space<vmem_shared>>) target(%arg10 : memref<128x128xf32, #tpu.memory_space<vmem>>) target_semaphore(%run_scoped3A : memref<!tpu.dma_semaphore, #tpu.memory_space<semaphore_mem>>)
      %dma_wait3A_310 = arith.constant 0 : i32
      %dma_wait3A_311 = tpu.memref_slice %arg11[%add3A_88, %dma_wait3A_310] : memref<10240x128xf32, #tpu.memory_space<vmem_shared>> -> memref<128x128xf32, #tpu.memory_space<vmem_shared>>
      %dma_wait3A_312 = arith.constant 0 : i32
      %dma_wait3A_313 = tpu.memref_slice %arg11[%add3A_88, %dma_wait3A_312] : memref<10240x128xf32, #tpu.memory_space<vmem_shared>> -> memref<128x128xf32, #tpu.memory_space<vmem_shared>>
      tpu.wait_dma2 semaphore(%run_scoped3A : memref<!tpu.dma_semaphore, #tpu.memory_space<semaphore_mem>>) src(%dma_wait3A_313 : memref<128x128xf32, #tpu.memory_space<vmem_shared>>) dst(%arg10 : memref<128x128xf32, #tpu.memory_space<vmem>>)
      tpu.yield
    }) : () -> ()
    %add3A_89 = arith.constant 384 : i32
    %add3A_90 = arith.addi %multiple_of3A_6, %add3A_89 : i32
    %dma_start3A_91 = arith.constant 0 : i32
    %dma_start3A_92 = tpu.memref_slice %arg6[%add3A_90, %dma_start3A_91] : memref<20480x128xf32, #tpu.memory_space<hbm>> -> memref<128x128xf32, #tpu.memory_space<hbm>>
    %dma_start3A_93 = arith.constant 0 : i32
    %dma_start3A_94 = tpu.memref_slice %arg6[%add3A_90, %dma_start3A_93] : memref<20480x128xf32, #tpu.memory_space<hbm>> -> memref<128x128xf32, #tpu.memory_space<hbm>>
    tpu.enqueue_dma source(%arg10 : memref<128x128xf32, #tpu.memory_space<vmem>>) target(%dma_start3A_94 : memref<128x128xf32, #tpu.memory_space<hbm>>) target_semaphore(%arg13 : memref<!tpu.dma_semaphore, #tpu.memory_space<semaphore_mem>>)
    %dma_wait3A_95 = arith.constant 0 : i32
    %dma_wait3A_96 = tpu.memref_slice %arg6[%add3A_78, %dma_wait3A_95] : memref<20480x128xf32, #tpu.memory_space<hbm>> -> memref<128x128xf32, #tpu.memory_space<hbm>>
    %dma_wait3A_97 = arith.constant 0 : i32
    %dma_wait3A_98 = tpu.memref_slice %arg6[%add3A_78, %dma_wait3A_97] : memref<20480x128xf32, #tpu.memory_space<hbm>> -> memref<128x128xf32, #tpu.memory_space<hbm>>
    tpu.wait_dma2 semaphore(%arg12 : memref<!tpu.dma_semaphore, #tpu.memory_space<semaphore_mem>>) src(%arg9 : memref<128x128xf32, #tpu.memory_space<vmem>>) dst(%dma_wait3A_98 : memref<128x128xf32, #tpu.memory_space<hbm>>)
    %add3A_99 = arith.constant 512 : i32
    %add3A_100 = arith.addi %multiple_of3A, %add3A_99 : i32
    "tpu.region"() ({
      %run_scoped3A = tpu.sem_alloc : memref<!tpu.dma_semaphore, #tpu.memory_space<semaphore_mem>>
      %dma_start3A_306 = arith.constant 0 : i32
      %dma_start3A_307 = tpu.memref_slice %arg11[%add3A_100, %dma_start3A_306] : memref<10240x128xf32, #tpu.memory_space<vmem_shared>> -> memref<128x128xf32, #tpu.memory_space<vmem_shared>>
      %dma_start3A_308 = arith.constant 0 : i32
      %dma_start3A_309 = tpu.memref_slice %arg11[%add3A_100, %dma_start3A_308] : memref<10240x128xf32, #tpu.memory_space<vmem_shared>> -> memref<128x128xf32, #tpu.memory_space<vmem_shared>>
      tpu.enqueue_dma source(%dma_start3A_309 : memref<128x128xf32, #tpu.memory_space<vmem_shared>>) target(%arg9 : memref<128x128xf32, #tpu.memory_space<vmem>>) target_semaphore(%run_scoped3A : memref<!tpu.dma_semaphore, #tpu.memory_space<semaphore_mem>>)
      %dma_wait3A_310 = arith.constant 0 : i32
      %dma_wait3A_311 = tpu.memref_slice %arg11[%add3A_100, %dma_wait3A_310] : memref<10240x128xf32, #tpu.memory_space<vmem_shared>> -> memref<128x128xf32, #tpu.memory_space<vmem_shared>>
      %dma_wait3A_312 = arith.constant 0 : i32
      %dma_wait3A_313 = tpu.memref_slice %arg11[%add3A_100, %dma_wait3A_312] : memref<10240x128xf32, #tpu.memory_space<vmem_shared>> -> memref<128x128xf32, #tpu.memory_space<vmem_shared>>
      tpu.wait_dma2 semaphore(%run_scoped3A : memref<!tpu.dma_semaphore, #tpu.memory_space<semaphore_mem>>) src(%dma_wait3A_313 : memref<128x128xf32, #tpu.memory_space<vmem_shared>>) dst(%arg9 : memref<128x128xf32, #tpu.memory_space<vmem>>)
      tpu.yield
    }) : () -> ()
    %add3A_101 = arith.constant 512 : i32
    %add3A_102 = arith.addi %multiple_of3A_6, %add3A_101 : i32
    %dma_start3A_103 = arith.constant 0 : i32
    %dma_start3A_104 = tpu.memref_slice %arg6[%add3A_102, %dma_start3A_103] : memref<20480x128xf32, #tpu.memory_space<hbm>> -> memref<128x128xf32, #tpu.memory_space<hbm>>
    %dma_start3A_105 = arith.constant 0 : i32
    %dma_start3A_106 = tpu.memref_slice %arg6[%add3A_102, %dma_start3A_105] : memref<20480x128xf32, #tpu.memory_space<hbm>> -> memref<128x128xf32, #tpu.memory_space<hbm>>
    tpu.enqueue_dma source(%arg9 : memref<128x128xf32, #tpu.memory_space<vmem>>) target(%dma_start3A_106 : memref<128x128xf32, #tpu.memory_space<hbm>>) target_semaphore(%arg12 : memref<!tpu.dma_semaphore, #tpu.memory_space<semaphore_mem>>)
    %dma_wait3A_107 = arith.constant 0 : i32
    %dma_wait3A_108 = tpu.memref_slice %arg6[%add3A_102, %dma_wait3A_107] : memref<20480x128xf32, #tpu.memory_space<hbm>> -> memref<128x128xf32, #tpu.memory_space<hbm>>
    %dma_wait3A_109 = arith.constant 0 : i32
    %dma_wait3A_110 = tpu.memref_slice %arg6[%add3A_102, %dma_wait3A_109] : memref<20480x128xf32, #tpu.memory_space<hbm>> -> memref<128x128xf32, #tpu.memory_space<hbm>>
    tpu.wait_dma2 semaphore(%arg12 : memref<!tpu.dma_semaphore, #tpu.memory_space<semaphore_mem>>) src(%arg9 : memref<128x128xf32, #tpu.memory_space<vmem>>) dst(%dma_wait3A_110 : memref<128x128xf32, #tpu.memory_space<hbm>>)
    %dma_wait3A_111 = arith.constant 0 : i32
    %dma_wait3A_112 = tpu.memref_slice %arg6[%add3A_90, %dma_wait3A_111] : memref<20480x128xf32, #tpu.memory_space<hbm>> -> memref<128x128xf32, #tpu.memory_space<hbm>>
    %dma_wait3A_113 = arith.constant 0 : i32
    %dma_wait3A_114 = tpu.memref_slice %arg6[%add3A_90, %dma_wait3A_113] : memref<20480x128xf32, #tpu.memory_space<hbm>> -> memref<128x128xf32, #tpu.memory_space<hbm>>
    tpu.wait_dma2 semaphore(%arg13 : memref<!tpu.dma_semaphore, #tpu.memory_space<semaphore_mem>>) src(%arg10 : memref<128x128xf32, #tpu.memory_space<vmem>>) dst(%dma_wait3A_114 : memref<128x128xf32, #tpu.memory_space<hbm>>)
    %barrier3A_115 = arith.constant 0 : index
    tpu.barrier barrier_id(%barrier3A_115)
    "tpu.region"() ({
      %run_scoped3A = tpu.sem_alloc : memref<!tpu.dma_semaphore, #tpu.memory_space<semaphore_mem>>
      tpu.enqueue_dma source(%arg4 : memref<128x128xf32, #tpu.memory_space<hbm>>) target(%arg9 : memref<128x128xf32, #tpu.memory_space<vmem>>) target_semaphore(%run_scoped3A : memref<!tpu.dma_semaphore, #tpu.memory_space<semaphore_mem>>)
      tpu.wait_dma2 semaphore(%run_scoped3A : memref<!tpu.dma_semaphore, #tpu.memory_space<semaphore_mem>>) src(%arg4 : memref<128x128xf32, #tpu.memory_space<hbm>>) dst(%arg9 : memref<128x128xf32, #tpu.memory_space<vmem>>)
      tpu.yield
    }) : () -> ()
    %add3A_116 = arith.constant 0 : i32
    %add3A_117 = arith.addi %multiple_of3A, %add3A_116 : i32
    "tpu.region"() ({
      %run_scoped3A = tpu.sem_alloc : memref<!tpu.dma_semaphore, #tpu.memory_space<semaphore_mem>>
      %dma_start3A_306 = arith.constant 0 : i32
      %dma_start3A_307 = tpu.memref_slice %arg11[%add3A_117, %dma_start3A_306] : memref<10240x128xf32, #tpu.memory_space<vmem_shared>> -> memref<128x128xf32, #tpu.memory_space<vmem_shared>>
      %dma_start3A_308 = arith.constant 0 : i32
      %dma_start3A_309 = tpu.memref_slice %arg11[%add3A_117, %dma_start3A_308] : memref<10240x128xf32, #tpu.memory_space<vmem_shared>> -> memref<128x128xf32, #tpu.memory_space<vmem_shared>>
      tpu.enqueue_dma source(%arg9 : memref<128x128xf32, #tpu.memory_space<vmem>>) target(%dma_start3A_309 : memref<128x128xf32, #tpu.memory_space<vmem_shared>>) target_semaphore(%run_scoped3A : memref<!tpu.dma_semaphore, #tpu.memory_space<semaphore_mem>>)
      %dma_wait3A_310 = arith.constant 0 : i32
      %dma_wait3A_311 = tpu.memref_slice %arg11[%add3A_117, %dma_wait3A_310] : memref<10240x128xf32, #tpu.memory_space<vmem_shared>> -> memref<128x128xf32, #tpu.memory_space<vmem_shared>>
      %dma_wait3A_312 = arith.constant 0 : i32
      %dma_wait3A_313 = tpu.memref_slice %arg11[%add3A_117, %dma_wait3A_312] : memref<10240x128xf32, #tpu.memory_space<vmem_shared>> -> memref<128x128xf32, #tpu.memory_space<vmem_shared>>
      tpu.wait_dma2 semaphore(%run_scoped3A : memref<!tpu.dma_semaphore, #tpu.memory_space<semaphore_mem>>) src(%arg9 : memref<128x128xf32, #tpu.memory_space<vmem>>) dst(%dma_wait3A_313 : memref<128x128xf32, #tpu.memory_space<vmem_shared>>)
      tpu.yield
    }) : () -> ()
    %add3A_118 = arith.constant 128 : i32
    %add3A_119 = arith.addi %multiple_of3A, %add3A_118 : i32
    "tpu.region"() ({
      %run_scoped3A = tpu.sem_alloc : memref<!tpu.dma_semaphore, #tpu.memory_space<semaphore_mem>>
      %dma_start3A_306 = arith.constant 0 : i32
      %dma_start3A_307 = tpu.memref_slice %arg11[%add3A_119, %dma_start3A_306] : memref<10240x128xf32, #tpu.memory_space<vmem_shared>> -> memref<128x128xf32, #tpu.memory_space<vmem_shared>>
      %dma_start3A_308 = arith.constant 0 : i32
      %dma_start3A_309 = tpu.memref_slice %arg11[%add3A_119, %dma_start3A_308] : memref<10240x128xf32, #tpu.memory_space<vmem_shared>> -> memref<128x128xf32, #tpu.memory_space<vmem_shared>>
      tpu.enqueue_dma source(%arg9 : memref<128x128xf32, #tpu.memory_space<vmem>>) target(%dma_start3A_309 : memref<128x128xf32, #tpu.memory_space<vmem_shared>>) target_semaphore(%run_scoped3A : memref<!tpu.dma_semaphore, #tpu.memory_space<semaphore_mem>>)
      %dma_wait3A_310 = arith.constant 0 : i32
      %dma_wait3A_311 = tpu.memref_slice %arg11[%add3A_119, %dma_wait3A_310] : memref<10240x128xf32, #tpu.memory_space<vmem_shared>> -> memref<128x128xf32, #tpu.memory_space<vmem_shared>>
      %dma_wait3A_312 = arith.constant 0 : i32
      %dma_wait3A_313 = tpu.memref_slice %arg11[%add3A_119, %dma_wait3A_312] : memref<10240x128xf32, #tpu.memory_space<vmem_shared>> -> memref<128x128xf32, #tpu.memory_space<vmem_shared>>
      tpu.wait_dma2 semaphore(%run_scoped3A : memref<!tpu.dma_semaphore, #tpu.memory_space<semaphore_mem>>) src(%arg9 : memref<128x128xf32, #tpu.memory_space<vmem>>) dst(%dma_wait3A_313 : memref<128x128xf32, #tpu.memory_space<vmem_shared>>)
      tpu.yield
    }) : () -> ()
    %add3A_120 = arith.constant 256 : i32
    %add3A_121 = arith.addi %multiple_of3A, %add3A_120 : i32
    "tpu.region"() ({
      %run_scoped3A = tpu.sem_alloc : memref<!tpu.dma_semaphore, #tpu.memory_space<semaphore_mem>>
      %dma_start3A_306 = arith.constant 0 : i32
      %dma_start3A_307 = tpu.memref_slice %arg11[%add3A_121, %dma_start3A_306] : memref<10240x128xf32, #tpu.memory_space<vmem_shared>> -> memref<128x128xf32, #tpu.memory_space<vmem_shared>>
      %dma_start3A_308 = arith.constant 0 : i32
      %dma_start3A_309 = tpu.memref_slice %arg11[%add3A_121, %dma_start3A_308] : memref<10240x128xf32, #tpu.memory_space<vmem_shared>> -> memref<128x128xf32, #tpu.memory_space<vmem_shared>>
      tpu.enqueue_dma source(%arg9 : memref<128x128xf32, #tpu.memory_space<vmem>>) target(%dma_start3A_309 : memref<128x128xf32, #tpu.memory_space<vmem_shared>>) target_semaphore(%run_scoped3A : memref<!tpu.dma_semaphore, #tpu.memory_space<semaphore_mem>>)
      %dma_wait3A_310 = arith.constant 0 : i32
      %dma_wait3A_311 = tpu.memref_slice %arg11[%add3A_121, %dma_wait3A_310] : memref<10240x128xf32, #tpu.memory_space<vmem_shared>> -> memref<128x128xf32, #tpu.memory_space<vmem_shared>>
      %dma_wait3A_312 = arith.constant 0 : i32
      %dma_wait3A_313 = tpu.memref_slice %arg11[%add3A_121, %dma_wait3A_312] : memref<10240x128xf32, #tpu.memory_space<vmem_shared>> -> memref<128x128xf32, #tpu.memory_space<vmem_shared>>
      tpu.wait_dma2 semaphore(%run_scoped3A : memref<!tpu.dma_semaphore, #tpu.memory_space<semaphore_mem>>) src(%arg9 : memref<128x128xf32, #tpu.memory_space<vmem>>) dst(%dma_wait3A_313 : memref<128x128xf32, #tpu.memory_space<vmem_shared>>)
      tpu.yield
    }) : () -> ()
    %add3A_122 = arith.constant 384 : i32
    %add3A_123 = arith.addi %multiple_of3A, %add3A_122 : i32
    "tpu.region"() ({
      %run_scoped3A = tpu.sem_alloc : memref<!tpu.dma_semaphore, #tpu.memory_space<semaphore_mem>>
      %dma_start3A_306 = arith.constant 0 : i32
      %dma_start3A_307 = tpu.memref_slice %arg11[%add3A_123, %dma_start3A_306] : memref<10240x128xf32, #tpu.memory_space<vmem_shared>> -> memref<128x128xf32, #tpu.memory_space<vmem_shared>>
      %dma_start3A_308 = arith.constant 0 : i32
      %dma_start3A_309 = tpu.memref_slice %arg11[%add3A_123, %dma_start3A_308] : memref<10240x128xf32, #tpu.memory_space<vmem_shared>> -> memref<128x128xf32, #tpu.memory_space<vmem_shared>>
      tpu.enqueue_dma source(%arg9 : memref<128x128xf32, #tpu.memory_space<vmem>>) target(%dma_start3A_309 : memref<128x128xf32, #tpu.memory_space<vmem_shared>>) target_semaphore(%run_scoped3A : memref<!tpu.dma_semaphore, #tpu.memory_space<semaphore_mem>>)
      %dma_wait3A_310 = arith.constant 0 : i32
      %dma_wait3A_311 = tpu.memref_slice %arg11[%add3A_123, %dma_wait3A_310] : memref<10240x128xf32, #tpu.memory_space<vmem_shared>> -> memref<128x128xf32, #tpu.memory_space<vmem_shared>>
      %dma_wait3A_312 = arith.constant 0 : i32
      %dma_wait3A_313 = tpu.memref_slice %arg11[%add3A_123, %dma_wait3A_312] : memref<10240x128xf32, #tpu.memory_space<vmem_shared>> -> memref<128x128xf32, #tpu.memory_space<vmem_shared>>
      tpu.wait_dma2 semaphore(%run_scoped3A : memref<!tpu.dma_semaphore, #tpu.memory_space<semaphore_mem>>) src(%arg9 : memref<128x128xf32, #tpu.memory_space<vmem>>) dst(%dma_wait3A_313 : memref<128x128xf32, #tpu.memory_space<vmem_shared>>)
      tpu.yield
    }) : () -> ()
    %add3A_124 = arith.constant 512 : i32
    %add3A_125 = arith.addi %multiple_of3A, %add3A_124 : i32
    "tpu.region"() ({
      %run_scoped3A = tpu.sem_alloc : memref<!tpu.dma_semaphore, #tpu.memory_space<semaphore_mem>>
      %dma_start3A_306 = arith.constant 0 : i32
      %dma_start3A_307 = tpu.memref_slice %arg11[%add3A_125, %dma_start3A_306] : memref<10240x128xf32, #tpu.memory_space<vmem_shared>> -> memref<128x128xf32, #tpu.memory_space<vmem_shared>>
      %dma_start3A_308 = arith.constant 0 : i32
      %dma_start3A_309 = tpu.memref_slice %arg11[%add3A_125, %dma_start3A_308] : memref<10240x128xf32, #tpu.memory_space<vmem_shared>> -> memref<128x128xf32, #tpu.memory_space<vmem_shared>>
      tpu.enqueue_dma source(%arg9 : memref<128x128xf32, #tpu.memory_space<vmem>>) target(%dma_start3A_309 : memref<128x128xf32, #tpu.memory_space<vmem_shared>>) target_semaphore(%run_scoped3A : memref<!tpu.dma_semaphore, #tpu.memory_space<semaphore_mem>>)
      %dma_wait3A_310 = arith.constant 0 : i32
      %dma_wait3A_311 = tpu.memref_slice %arg11[%add3A_125, %dma_wait3A_310] : memref<10240x128xf32, #tpu.memory_space<vmem_shared>> -> memref<128x128xf32, #tpu.memory_space<vmem_shared>>
      %dma_wait3A_312 = arith.constant 0 : i32
      %dma_wait3A_313 = tpu.memref_slice %arg11[%add3A_125, %dma_wait3A_312] : memref<10240x128xf32, #tpu.memory_space<vmem_shared>> -> memref<128x128xf32, #tpu.memory_space<vmem_shared>>
      tpu.wait_dma2 semaphore(%run_scoped3A : memref<!tpu.dma_semaphore, #tpu.memory_space<semaphore_mem>>) src(%arg9 : memref<128x128xf32, #tpu.memory_space<vmem>>) dst(%dma_wait3A_313 : memref<128x128xf32, #tpu.memory_space<vmem_shared>>)
      tpu.yield
    }) : () -> ()
    "tpu.region"() ({
      %run_scoped3A = tpu.sem_alloc : memref<!tpu.dma_semaphore, #tpu.memory_space<semaphore_mem>>
      tpu.enqueue_dma source(%arg5 : memref<128x128xf32, #tpu.memory_space<hbm>>) target(%arg10 : memref<128x128xf32, #tpu.memory_space<vmem>>) target_semaphore(%run_scoped3A : memref<!tpu.dma_semaphore, #tpu.memory_space<semaphore_mem>>)
      tpu.wait_dma2 semaphore(%run_scoped3A : memref<!tpu.dma_semaphore, #tpu.memory_space<semaphore_mem>>) src(%arg5 : memref<128x128xf32, #tpu.memory_space<hbm>>) dst(%arg10 : memref<128x128xf32, #tpu.memory_space<vmem>>)
      tpu.yield
    }) : () -> ()
    %barrier3A_126 = arith.constant 0 : index
    tpu.barrier barrier_id(%barrier3A_126)
    %dma_start3A_127 = arith.constant 0 : i32
    %dma_start3A_128 = arith.constant 0 : i32
    %dma_start3A_129 = tpu.memref_slice %arg8[%dma_start3A_127, %dma_start3A_128] : memref<80x128xi32, #tpu.memory_space<vmem>> -> memref<1x128xi32, #tpu.memory_space<vmem>>
    %dma_start3A_130 = tpu.memref_squeeze %dma_start3A_129 : memref<1x128xi32, #tpu.memory_space<vmem>> -> memref<128xi32, #tpu.memory_space<vmem>>
    %dma_start3A_131 = arith.constant 0 : i32
    %dma_start3A_132 = arith.constant 0 : i32
    %dma_start3A_133 = tpu.memref_slice %arg11[%dma_start3A_131, %dma_start3A_132] : memref<10240x128xf32, #tpu.memory_space<vmem_shared>> -> memref<10240x128xf32, #tpu.memory_space<vmem_shared>>
    tpu.enqueue_indirect_dma source(%arg10 : memref<128x128xf32, #tpu.memory_space<vmem>>) target(%dma_start3A_133 : memref<10240x128xf32, #tpu.memory_space<vmem_shared>>) offsets(%dma_start3A_130 : memref<128xi32, #tpu.memory_space<vmem>>) semaphore(%arg14 : memref<!tpu.dma_semaphore, #tpu.memory_space<semaphore_mem>>) {add = true}
    %dma_start3A_134 = arith.constant 1 : i32
    %dma_start3A_135 = arith.constant 0 : i32
    %dma_start3A_136 = tpu.memref_slice %arg8[%dma_start3A_134, %dma_start3A_135] : memref<80x128xi32, #tpu.memory_space<vmem>> -> memref<1x128xi32, #tpu.memory_space<vmem>>
    %dma_start3A_137 = tpu.memref_squeeze %dma_start3A_136 : memref<1x128xi32, #tpu.memory_space<vmem>> -> memref<128xi32, #tpu.memory_space<vmem>>
    %dma_start3A_138 = arith.constant 0 : i32
    %dma_start3A_139 = arith.constant 0 : i32
    %dma_start3A_140 = tpu.memref_slice %arg11[%dma_start3A_138, %dma_start3A_139] : memref<10240x128xf32, #tpu.memory_space<vmem_shared>> -> memref<10240x128xf32, #tpu.memory_space<vmem_shared>>
    tpu.enqueue_indirect_dma source(%arg10 : memref<128x128xf32, #tpu.memory_space<vmem>>) target(%dma_start3A_140 : memref<10240x128xf32, #tpu.memory_space<vmem_shared>>) offsets(%dma_start3A_137 : memref<128xi32, #tpu.memory_space<vmem>>) semaphore(%arg14 : memref<!tpu.dma_semaphore, #tpu.memory_space<semaphore_mem>>) {add = true}
    %dma_start3A_141 = arith.constant 2 : i32
    %dma_start3A_142 = arith.constant 0 : i32
    %dma_start3A_143 = tpu.memref_slice %arg8[%dma_start3A_141, %dma_start3A_142] : memref<80x128xi32, #tpu.memory_space<vmem>> -> memref<1x128xi32, #tpu.memory_space<vmem>>
    %dma_start3A_144 = tpu.memref_squeeze %dma_start3A_143 : memref<1x128xi32, #tpu.memory_space<vmem>> -> memref<128xi32, #tpu.memory_space<vmem>>
    %dma_start3A_145 = arith.constant 0 : i32
    %dma_start3A_146 = arith.constant 0 : i32
    %dma_start3A_147 = tpu.memref_slice %arg11[%dma_start3A_145, %dma_start3A_146] : memref<10240x128xf32, #tpu.memory_space<vmem_shared>> -> memref<10240x128xf32, #tpu.memory_space<vmem_shared>>
    tpu.enqueue_indirect_dma source(%arg10 : memref<128x128xf32, #tpu.memory_space<vmem>>) target(%dma_start3A_147 : memref<10240x128xf32, #tpu.memory_space<vmem_shared>>) offsets(%dma_start3A_144 : memref<128xi32, #tpu.memory_space<vmem>>) semaphore(%arg14 : memref<!tpu.dma_semaphore, #tpu.memory_space<semaphore_mem>>) {add = true}
    %dma_start3A_148 = arith.constant 3 : i32
    %dma_start3A_149 = arith.constant 0 : i32
    %dma_start3A_150 = tpu.memref_slice %arg8[%dma_start3A_148, %dma_start3A_149] : memref<80x128xi32, #tpu.memory_space<vmem>> -> memref<1x128xi32, #tpu.memory_space<vmem>>
    %dma_start3A_151 = tpu.memref_squeeze %dma_start3A_150 : memref<1x128xi32, #tpu.memory_space<vmem>> -> memref<128xi32, #tpu.memory_space<vmem>>
    %dma_start3A_152 = arith.constant 0 : i32
    %dma_start3A_153 = arith.constant 0 : i32
    %dma_start3A_154 = tpu.memref_slice %arg11[%dma_start3A_152, %dma_start3A_153] : memref<10240x128xf32, #tpu.memory_space<vmem_shared>> -> memref<10240x128xf32, #tpu.memory_space<vmem_shared>>
    tpu.enqueue_indirect_dma source(%arg10 : memref<128x128xf32, #tpu.memory_space<vmem>>) target(%dma_start3A_154 : memref<10240x128xf32, #tpu.memory_space<vmem_shared>>) offsets(%dma_start3A_151 : memref<128xi32, #tpu.memory_space<vmem>>) semaphore(%arg14 : memref<!tpu.dma_semaphore, #tpu.memory_space<semaphore_mem>>) {add = true}
    %dma_start3A_155 = arith.constant 4 : i32
    %dma_start3A_156 = arith.constant 0 : i32
    %dma_start3A_157 = tpu.memref_slice %arg8[%dma_start3A_155, %dma_start3A_156] : memref<80x128xi32, #tpu.memory_space<vmem>> -> memref<1x128xi32, #tpu.memory_space<vmem>>
    %dma_start3A_158 = tpu.memref_squeeze %dma_start3A_157 : memref<1x128xi32, #tpu.memory_space<vmem>> -> memref<128xi32, #tpu.memory_space<vmem>>
    %dma_start3A_159 = arith.constant 0 : i32
    %dma_start3A_160 = arith.constant 0 : i32
    %dma_start3A_161 = tpu.memref_slice %arg11[%dma_start3A_159, %dma_start3A_160] : memref<10240x128xf32, #tpu.memory_space<vmem_shared>> -> memref<10240x128xf32, #tpu.memory_space<vmem_shared>>
    tpu.enqueue_indirect_dma source(%arg10 : memref<128x128xf32, #tpu.memory_space<vmem>>) target(%dma_start3A_161 : memref<10240x128xf32, #tpu.memory_space<vmem_shared>>) offsets(%dma_start3A_158 : memref<128xi32, #tpu.memory_space<vmem>>) semaphore(%arg14 : memref<!tpu.dma_semaphore, #tpu.memory_space<semaphore_mem>>) {add = true}
    %dma_start3A_162 = arith.constant 5 : i32
    %dma_start3A_163 = arith.constant 0 : i32
    %dma_start3A_164 = tpu.memref_slice %arg8[%dma_start3A_162, %dma_start3A_163] : memref<80x128xi32, #tpu.memory_space<vmem>> -> memref<1x128xi32, #tpu.memory_space<vmem>>
    %dma_start3A_165 = tpu.memref_squeeze %dma_start3A_164 : memref<1x128xi32, #tpu.memory_space<vmem>> -> memref<128xi32, #tpu.memory_space<vmem>>
    %dma_start3A_166 = arith.constant 0 : i32
    %dma_start3A_167 = arith.constant 0 : i32
    %dma_start3A_168 = tpu.memref_slice %arg11[%dma_start3A_166, %dma_start3A_167] : memref<10240x128xf32, #tpu.memory_space<vmem_shared>> -> memref<10240x128xf32, #tpu.memory_space<vmem_shared>>
    tpu.enqueue_indirect_dma source(%arg10 : memref<128x128xf32, #tpu.memory_space<vmem>>) target(%dma_start3A_168 : memref<10240x128xf32, #tpu.memory_space<vmem_shared>>) offsets(%dma_start3A_165 : memref<128xi32, #tpu.memory_space<vmem>>) semaphore(%arg14 : memref<!tpu.dma_semaphore, #tpu.memory_space<semaphore_mem>>) {add = true}
    %dma_start3A_169 = arith.constant 6 : i32
    %dma_start3A_170 = arith.constant 0 : i32
    %dma_start3A_171 = tpu.memref_slice %arg8[%dma_start3A_169, %dma_start3A_170] : memref<80x128xi32, #tpu.memory_space<vmem>> -> memref<1x128xi32, #tpu.memory_space<vmem>>
    %dma_start3A_172 = tpu.memref_squeeze %dma_start3A_171 : memref<1x128xi32, #tpu.memory_space<vmem>> -> memref<128xi32, #tpu.memory_space<vmem>>
    %dma_start3A_173 = arith.constant 0 : i32
    %dma_start3A_174 = arith.constant 0 : i32
    %dma_start3A_175 = tpu.memref_slice %arg11[%dma_start3A_173, %dma_start3A_174] : memref<10240x128xf32, #tpu.memory_space<vmem_shared>> -> memref<10240x128xf32, #tpu.memory_space<vmem_shared>>
    tpu.enqueue_indirect_dma source(%arg10 : memref<128x128xf32, #tpu.memory_space<vmem>>) target(%dma_start3A_175 : memref<10240x128xf32, #tpu.memory_space<vmem_shared>>) offsets(%dma_start3A_172 : memref<128xi32, #tpu.memory_space<vmem>>) semaphore(%arg14 : memref<!tpu.dma_semaphore, #tpu.memory_space<semaphore_mem>>) {add = true}
    %dma_start3A_176 = arith.constant 7 : i32
    %dma_start3A_177 = arith.constant 0 : i32
    %dma_start3A_178 = tpu.memref_slice %arg8[%dma_start3A_176, %dma_start3A_177] : memref<80x128xi32, #tpu.memory_space<vmem>> -> memref<1x128xi32, #tpu.memory_space<vmem>>
    %dma_start3A_179 = tpu.memref_squeeze %dma_start3A_178 : memref<1x128xi32, #tpu.memory_space<vmem>> -> memref<128xi32, #tpu.memory_space<vmem>>
    %dma_start3A_180 = arith.constant 0 : i32
    %dma_start3A_181 = arith.constant 0 : i32
    %dma_start3A_182 = tpu.memref_slice %arg11[%dma_start3A_180, %dma_start3A_181] : memref<10240x128xf32, #tpu.memory_space<vmem_shared>> -> memref<10240x128xf32, #tpu.memory_space<vmem_shared>>
    tpu.enqueue_indirect_dma source(%arg10 : memref<128x128xf32, #tpu.memory_space<vmem>>) target(%dma_start3A_182 : memref<10240x128xf32, #tpu.memory_space<vmem_shared>>) offsets(%dma_start3A_179 : memref<128xi32, #tpu.memory_space<vmem>>) semaphore(%arg14 : memref<!tpu.dma_semaphore, #tpu.memory_space<semaphore_mem>>) {add = true}
    %scan3A_183 = arith.constant 0 : i32
    %scan3A_184 = arith.constant 0 : i32
    %scan3A_185 = arith.constant 72 : i32
    %scan3A_186 = arith.addi %scan3A_184, %scan3A_185 : i32
    %scan3A_187 = arith.constant 1 : i32
    scf.for %scan3A_306 = %scan3A_184 to %scan3A_186 step %scan3A_187  : i32 {
      %dma_wait3A_307 = arith.constant 0 : i32
      %dma_wait3A_308 = arith.constant 0 : i32
      %dma_wait3A_309 = tpu.memref_slice %arg8[%dma_wait3A_307, %dma_wait3A_308] : memref<80x128xi32, #tpu.memory_space<vmem>> -> memref<1x128xi32, #tpu.memory_space<vmem>>
      %dma_wait3A_310 = tpu.memref_squeeze %dma_wait3A_309 : memref<1x128xi32, #tpu.memory_space<vmem>> -> memref<128xi32, #tpu.memory_space<vmem>>
      %dma_wait3A_311 = arith.constant 0 : i32
      %dma_wait3A_312 = arith.constant 0 : i32
      %dma_wait3A_313 = tpu.memref_slice %arg11[%dma_wait3A_311, %dma_wait3A_312] : memref<10240x128xf32, #tpu.memory_space<vmem_shared>> -> memref<10240x128xf32, #tpu.memory_space<vmem_shared>>
      tpu.wait_indirect_dma semaphore(%arg14 : memref<!tpu.dma_semaphore, #tpu.memory_space<semaphore_mem>>) src(%arg10 : memref<128x128xf32, #tpu.memory_space<vmem>>) dst(%dma_wait3A_313 : memref<10240x128xf32, #tpu.memory_space<vmem_shared>>)
      %add3A_314 = arith.constant 8 : i32
      %add3A_315 = arith.addi %scan3A_306, %add3A_314 : i32
      %dma_start3A_316 = arith.constant 0 : i32
      %dma_start3A_317 = tpu.memref_slice %arg8[%add3A_315, %dma_start3A_316] : memref<80x128xi32, #tpu.memory_space<vmem>> -> memref<1x128xi32, #tpu.memory_space<vmem>>
      %dma_start3A_318 = tpu.memref_squeeze %dma_start3A_317 : memref<1x128xi32, #tpu.memory_space<vmem>> -> memref<128xi32, #tpu.memory_space<vmem>>
      %dma_start3A_319 = arith.constant 0 : i32
      %dma_start3A_320 = arith.constant 0 : i32
      %dma_start3A_321 = tpu.memref_slice %arg11[%dma_start3A_319, %dma_start3A_320] : memref<10240x128xf32, #tpu.memory_space<vmem_shared>> -> memref<10240x128xf32, #tpu.memory_space<vmem_shared>>
      tpu.enqueue_indirect_dma source(%arg10 : memref<128x128xf32, #tpu.memory_space<vmem>>) target(%dma_start3A_321 : memref<10240x128xf32, #tpu.memory_space<vmem_shared>>) offsets(%dma_start3A_318 : memref<128xi32, #tpu.memory_space<vmem>>) semaphore(%arg14 : memref<!tpu.dma_semaphore, #tpu.memory_space<semaphore_mem>>) {add = true}
    }
    %scan3A_188 = arith.constant 72 : i32
    %dma_wait3A_189 = arith.constant 0 : i32
    %dma_wait3A_190 = arith.constant 0 : i32
    %dma_wait3A_191 = tpu.memref_slice %arg8[%dma_wait3A_189, %dma_wait3A_190] : memref<80x128xi32, #tpu.memory_space<vmem>> -> memref<1x128xi32, #tpu.memory_space<vmem>>
    %dma_wait3A_192 = tpu.memref_squeeze %dma_wait3A_191 : memref<1x128xi32, #tpu.memory_space<vmem>> -> memref<128xi32, #tpu.memory_space<vmem>>
    %dma_wait3A_193 = arith.constant 0 : i32
    %dma_wait3A_194 = arith.constant 0 : i32
    %dma_wait3A_195 = tpu.memref_slice %arg11[%dma_wait3A_193, %dma_wait3A_194] : memref<10240x128xf32, #tpu.memory_space<vmem_shared>> -> memref<10240x128xf32, #tpu.memory_space<vmem_shared>>
    tpu.wait_indirect_dma semaphore(%arg14 : memref<!tpu.dma_semaphore, #tpu.memory_space<semaphore_mem>>) src(%arg10 : memref<128x128xf32, #tpu.memory_space<vmem>>) dst(%dma_wait3A_195 : memref<10240x128xf32, #tpu.memory_space<vmem_shared>>)
    %dma_wait3A_196 = arith.constant 0 : i32
    %dma_wait3A_197 = arith.constant 0 : i32
    %dma_wait3A_198 = tpu.memref_slice %arg8[%dma_wait3A_196, %dma_wait3A_197] : memref<80x128xi32, #tpu.memory_space<vmem>> -> memref<1x128xi32, #tpu.memory_space<vmem>>
    %dma_wait3A_199 = tpu.memref_squeeze %dma_wait3A_198 : memref<1x128xi32, #tpu.memory_space<vmem>> -> memref<128xi32, #tpu.memory_space<vmem>>
    %dma_wait3A_200 = arith.constant 0 : i32
    %dma_wait3A_201 = arith.constant 0 : i32
    %dma_wait3A_202 = tpu.memref_slice %arg11[%dma_wait3A_200, %dma_wait3A_201] : memref<10240x128xf32, #tpu.memory_space<vmem_shared>> -> memref<10240x128xf32, #tpu.memory_space<vmem_shared>>
    tpu.wait_indirect_dma semaphore(%arg14 : memref<!tpu.dma_semaphore, #tpu.memory_space<semaphore_mem>>) src(%arg10 : memref<128x128xf32, #tpu.memory_space<vmem>>) dst(%dma_wait3A_202 : memref<10240x128xf32, #tpu.memory_space<vmem_shared>>)
    %dma_wait3A_203 = arith.constant 0 : i32
    %dma_wait3A_204 = arith.constant 0 : i32
    %dma_wait3A_205 = tpu.memref_slice %arg8[%dma_wait3A_203, %dma_wait3A_204] : memref<80x128xi32, #tpu.memory_space<vmem>> -> memref<1x128xi32, #tpu.memory_space<vmem>>
    %dma_wait3A_206 = tpu.memref_squeeze %dma_wait3A_205 : memref<1x128xi32, #tpu.memory_space<vmem>> -> memref<128xi32, #tpu.memory_space<vmem>>
    %dma_wait3A_207 = arith.constant 0 : i32
    %dma_wait3A_208 = arith.constant 0 : i32
    %dma_wait3A_209 = tpu.memref_slice %arg11[%dma_wait3A_207, %dma_wait3A_208] : memref<10240x128xf32, #tpu.memory_space<vmem_shared>> -> memref<10240x128xf32, #tpu.memory_space<vmem_shared>>
    tpu.wait_indirect_dma semaphore(%arg14 : memref<!tpu.dma_semaphore, #tpu.memory_space<semaphore_mem>>) src(%arg10 : memref<128x128xf32, #tpu.memory_space<vmem>>) dst(%dma_wait3A_209 : memref<10240x128xf32, #tpu.memory_space<vmem_shared>>)
    %dma_wait3A_210 = arith.constant 0 : i32
    %dma_wait3A_211 = arith.constant 0 : i32
    %dma_wait3A_212 = tpu.memref_slice %arg8[%dma_wait3A_210, %dma_wait3A_211] : memref<80x128xi32, #tpu.memory_space<vmem>> -> memref<1x128xi32, #tpu.memory_space<vmem>>
    %dma_wait3A_213 = tpu.memref_squeeze %dma_wait3A_212 : memref<1x128xi32, #tpu.memory_space<vmem>> -> memref<128xi32, #tpu.memory_space<vmem>>
    %dma_wait3A_214 = arith.constant 0 : i32
    %dma_wait3A_215 = arith.constant 0 : i32
    %dma_wait3A_216 = tpu.memref_slice %arg11[%dma_wait3A_214, %dma_wait3A_215] : memref<10240x128xf32, #tpu.memory_space<vmem_shared>> -> memref<10240x128xf32, #tpu.memory_space<vmem_shared>>
    tpu.wait_indirect_dma semaphore(%arg14 : memref<!tpu.dma_semaphore, #tpu.memory_space<semaphore_mem>>) src(%arg10 : memref<128x128xf32, #tpu.memory_space<vmem>>) dst(%dma_wait3A_216 : memref<10240x128xf32, #tpu.memory_space<vmem_shared>>)
    %dma_wait3A_217 = arith.constant 0 : i32
    %dma_wait3A_218 = arith.constant 0 : i32
    %dma_wait3A_219 = tpu.memref_slice %arg8[%dma_wait3A_217, %dma_wait3A_218] : memref<80x128xi32, #tpu.memory_space<vmem>> -> memref<1x128xi32, #tpu.memory_space<vmem>>
    %dma_wait3A_220 = tpu.memref_squeeze %dma_wait3A_219 : memref<1x128xi32, #tpu.memory_space<vmem>> -> memref<128xi32, #tpu.memory_space<vmem>>
    %dma_wait3A_221 = arith.constant 0 : i32
    %dma_wait3A_222 = arith.constant 0 : i32
    %dma_wait3A_223 = tpu.memref_slice %arg11[%dma_wait3A_221, %dma_wait3A_222] : memref<10240x128xf32, #tpu.memory_space<vmem_shared>> -> memref<10240x128xf32, #tpu.memory_space<vmem_shared>>
    tpu.wait_indirect_dma semaphore(%arg14 : memref<!tpu.dma_semaphore, #tpu.memory_space<semaphore_mem>>) src(%arg10 : memref<128x128xf32, #tpu.memory_space<vmem>>) dst(%dma_wait3A_223 : memref<10240x128xf32, #tpu.memory_space<vmem_shared>>)
    %dma_wait3A_224 = arith.constant 0 : i32
    %dma_wait3A_225 = arith.constant 0 : i32
    %dma_wait3A_226 = tpu.memref_slice %arg8[%dma_wait3A_224, %dma_wait3A_225] : memref<80x128xi32, #tpu.memory_space<vmem>> -> memref<1x128xi32, #tpu.memory_space<vmem>>
    %dma_wait3A_227 = tpu.memref_squeeze %dma_wait3A_226 : memref<1x128xi32, #tpu.memory_space<vmem>> -> memref<128xi32, #tpu.memory_space<vmem>>
    %dma_wait3A_228 = arith.constant 0 : i32
    %dma_wait3A_229 = arith.constant 0 : i32
    %dma_wait3A_230 = tpu.memref_slice %arg11[%dma_wait3A_228, %dma_wait3A_229] : memref<10240x128xf32, #tpu.memory_space<vmem_shared>> -> memref<10240x128xf32, #tpu.memory_space<vmem_shared>>
    tpu.wait_indirect_dma semaphore(%arg14 : memref<!tpu.dma_semaphore, #tpu.memory_space<semaphore_mem>>) src(%arg10 : memref<128x128xf32, #tpu.memory_space<vmem>>) dst(%dma_wait3A_230 : memref<10240x128xf32, #tpu.memory_space<vmem_shared>>)
    %dma_wait3A_231 = arith.constant 0 : i32
    %dma_wait3A_232 = arith.constant 0 : i32
    %dma_wait3A_233 = tpu.memref_slice %arg8[%dma_wait3A_231, %dma_wait3A_232] : memref<80x128xi32, #tpu.memory_space<vmem>> -> memref<1x128xi32, #tpu.memory_space<vmem>>
    %dma_wait3A_234 = tpu.memref_squeeze %dma_wait3A_233 : memref<1x128xi32, #tpu.memory_space<vmem>> -> memref<128xi32, #tpu.memory_space<vmem>>
    %dma_wait3A_235 = arith.constant 0 : i32
    %dma_wait3A_236 = arith.constant 0 : i32
    %dma_wait3A_237 = tpu.memref_slice %arg11[%dma_wait3A_235, %dma_wait3A_236] : memref<10240x128xf32, #tpu.memory_space<vmem_shared>> -> memref<10240x128xf32, #tpu.memory_space<vmem_shared>>
    tpu.wait_indirect_dma semaphore(%arg14 : memref<!tpu.dma_semaphore, #tpu.memory_space<semaphore_mem>>) src(%arg10 : memref<128x128xf32, #tpu.memory_space<vmem>>) dst(%dma_wait3A_237 : memref<10240x128xf32, #tpu.memory_space<vmem_shared>>)
    %dma_wait3A_238 = arith.constant 0 : i32
    %dma_wait3A_239 = arith.constant 0 : i32
    %dma_wait3A_240 = tpu.memref_slice %arg8[%dma_wait3A_238, %dma_wait3A_239] : memref<80x128xi32, #tpu.memory_space<vmem>> -> memref<1x128xi32, #tpu.memory_space<vmem>>
    %dma_wait3A_241 = tpu.memref_squeeze %dma_wait3A_240 : memref<1x128xi32, #tpu.memory_space<vmem>> -> memref<128xi32, #tpu.memory_space<vmem>>
    %dma_wait3A_242 = arith.constant 0 : i32
    %dma_wait3A_243 = arith.constant 0 : i32
    %dma_wait3A_244 = tpu.memref_slice %arg11[%dma_wait3A_242, %dma_wait3A_243] : memref<10240x128xf32, #tpu.memory_space<vmem_shared>> -> memref<10240x128xf32, #tpu.memory_space<vmem_shared>>
    tpu.wait_indirect_dma semaphore(%arg14 : memref<!tpu.dma_semaphore, #tpu.memory_space<semaphore_mem>>) src(%arg10 : memref<128x128xf32, #tpu.memory_space<vmem>>) dst(%dma_wait3A_244 : memref<10240x128xf32, #tpu.memory_space<vmem_shared>>)
    %barrier3A_245 = arith.constant 0 : index
    tpu.barrier barrier_id(%barrier3A_245)
    %add3A_246 = arith.constant 0 : i32
    %add3A_247 = arith.addi %multiple_of3A, %add3A_246 : i32
    "tpu.region"() ({
      %run_scoped3A = tpu.sem_alloc : memref<!tpu.dma_semaphore, #tpu.memory_space<semaphore_mem>>
      %dma_start3A_306 = arith.constant 0 : i32
      %dma_start3A_307 = tpu.memref_slice %arg11[%add3A_247, %dma_start3A_306] : memref<10240x128xf32, #tpu.memory_space<vmem_shared>> -> memref<128x128xf32, #tpu.memory_space<vmem_shared>>
      %dma_start3A_308 = arith.constant 0 : i32
      %dma_start3A_309 = tpu.memref_slice %arg11[%add3A_247, %dma_start3A_308] : memref<10240x128xf32, #tpu.memory_space<vmem_shared>> -> memref<128x128xf32, #tpu.memory_space<vmem_shared>>
      tpu.enqueue_dma source(%dma_start3A_309 : memref<128x128xf32, #tpu.memory_space<vmem_shared>>) target(%arg9 : memref<128x128xf32, #tpu.memory_space<vmem>>) target_semaphore(%run_scoped3A : memref<!tpu.dma_semaphore, #tpu.memory_space<semaphore_mem>>)
      %dma_wait3A_310 = arith.constant 0 : i32
      %dma_wait3A_311 = tpu.memref_slice %arg11[%add3A_247, %dma_wait3A_310] : memref<10240x128xf32, #tpu.memory_space<vmem_shared>> -> memref<128x128xf32, #tpu.memory_space<vmem_shared>>
      %dma_wait3A_312 = arith.constant 0 : i32
      %dma_wait3A_313 = tpu.memref_slice %arg11[%add3A_247, %dma_wait3A_312] : memref<10240x128xf32, #tpu.memory_space<vmem_shared>> -> memref<128x128xf32, #tpu.memory_space<vmem_shared>>
      tpu.wait_dma2 semaphore(%run_scoped3A : memref<!tpu.dma_semaphore, #tpu.memory_space<semaphore_mem>>) src(%dma_wait3A_313 : memref<128x128xf32, #tpu.memory_space<vmem_shared>>) dst(%arg9 : memref<128x128xf32, #tpu.memory_space<vmem>>)
      tpu.yield
    }) : () -> ()
    %add3A_248 = arith.constant 0 : i32
    %add3A_249 = arith.addi %multiple_of3A_6, %add3A_248 : i32
    %dma_start3A_250 = arith.constant 0 : i32
    %dma_start3A_251 = tpu.memref_slice %arg7[%add3A_249, %dma_start3A_250] : memref<20480x128xf32, #tpu.memory_space<hbm>> -> memref<128x128xf32, #tpu.memory_space<hbm>>
    %dma_start3A_252 = arith.constant 0 : i32
    %dma_start3A_253 = tpu.memref_slice %arg7[%add3A_249, %dma_start3A_252] : memref<20480x128xf32, #tpu.memory_space<hbm>> -> memref<128x128xf32, #tpu.memory_space<hbm>>
    tpu.enqueue_dma source(%arg9 : memref<128x128xf32, #tpu.memory_space<vmem>>) target(%dma_start3A_253 : memref<128x128xf32, #tpu.memory_space<hbm>>) target_semaphore(%arg12 : memref<!tpu.dma_semaphore, #tpu.memory_space<semaphore_mem>>)
    %add3A_254 = arith.constant 128 : i32
    %add3A_255 = arith.addi %multiple_of3A, %add3A_254 : i32
    "tpu.region"() ({
      %run_scoped3A = tpu.sem_alloc : memref<!tpu.dma_semaphore, #tpu.memory_space<semaphore_mem>>
      %dma_start3A_306 = arith.constant 0 : i32
      %dma_start3A_307 = tpu.memref_slice %arg11[%add3A_255, %dma_start3A_306] : memref<10240x128xf32, #tpu.memory_space<vmem_shared>> -> memref<128x128xf32, #tpu.memory_space<vmem_shared>>
      %dma_start3A_308 = arith.constant 0 : i32
      %dma_start3A_309 = tpu.memref_slice %arg11[%add3A_255, %dma_start3A_308] : memref<10240x128xf32, #tpu.memory_space<vmem_shared>> -> memref<128x128xf32, #tpu.memory_space<vmem_shared>>
      tpu.enqueue_dma source(%dma_start3A_309 : memref<128x128xf32, #tpu.memory_space<vmem_shared>>) target(%arg10 : memref<128x128xf32, #tpu.memory_space<vmem>>) target_semaphore(%run_scoped3A : memref<!tpu.dma_semaphore, #tpu.memory_space<semaphore_mem>>)
      %dma_wait3A_310 = arith.constant 0 : i32
      %dma_wait3A_311 = tpu.memref_slice %arg11[%add3A_255, %dma_wait3A_310] : memref<10240x128xf32, #tpu.memory_space<vmem_shared>> -> memref<128x128xf32, #tpu.memory_space<vmem_shared>>
      %dma_wait3A_312 = arith.constant 0 : i32
      %dma_wait3A_313 = tpu.memref_slice %arg11[%add3A_255, %dma_wait3A_312] : memref<10240x128xf32, #tpu.memory_space<vmem_shared>> -> memref<128x128xf32, #tpu.memory_space<vmem_shared>>
      tpu.wait_dma2 semaphore(%run_scoped3A : memref<!tpu.dma_semaphore, #tpu.memory_space<semaphore_mem>>) src(%dma_wait3A_313 : memref<128x128xf32, #tpu.memory_space<vmem_shared>>) dst(%arg10 : memref<128x128xf32, #tpu.memory_space<vmem>>)
      tpu.yield
    }) : () -> ()
    %add3A_256 = arith.constant 128 : i32
    %add3A_257 = arith.addi %multiple_of3A_6, %add3A_256 : i32
    %dma_start3A_258 = arith.constant 0 : i32
    %dma_start3A_259 = tpu.memref_slice %arg7[%add3A_257, %dma_start3A_258] : memref<20480x128xf32, #tpu.memory_space<hbm>> -> memref<128x128xf32, #tpu.memory_space<hbm>>
    %dma_start3A_260 = arith.constant 0 : i32
    %dma_start3A_261 = tpu.memref_slice %arg7[%add3A_257, %dma_start3A_260] : memref<20480x128xf32, #tpu.memory_space<hbm>> -> memref<128x128xf32, #tpu.memory_space<hbm>>
    tpu.enqueue_dma source(%arg10 : memref<128x128xf32, #tpu.memory_space<vmem>>) target(%dma_start3A_261 : memref<128x128xf32, #tpu.memory_space<hbm>>) target_semaphore(%arg13 : memref<!tpu.dma_semaphore, #tpu.memory_space<semaphore_mem>>)
    %dma_wait3A_262 = arith.constant 0 : i32
    %dma_wait3A_263 = tpu.memref_slice %arg7[%add3A_249, %dma_wait3A_262] : memref<20480x128xf32, #tpu.memory_space<hbm>> -> memref<128x128xf32, #tpu.memory_space<hbm>>
    %dma_wait3A_264 = arith.constant 0 : i32
    %dma_wait3A_265 = tpu.memref_slice %arg7[%add3A_249, %dma_wait3A_264] : memref<20480x128xf32, #tpu.memory_space<hbm>> -> memref<128x128xf32, #tpu.memory_space<hbm>>
    tpu.wait_dma2 semaphore(%arg12 : memref<!tpu.dma_semaphore, #tpu.memory_space<semaphore_mem>>) src(%arg9 : memref<128x128xf32, #tpu.memory_space<vmem>>) dst(%dma_wait3A_265 : memref<128x128xf32, #tpu.memory_space<hbm>>)
    %add3A_266 = arith.constant 256 : i32
    %add3A_267 = arith.addi %multiple_of3A, %add3A_266 : i32
    "tpu.region"() ({
      %run_scoped3A = tpu.sem_alloc : memref<!tpu.dma_semaphore, #tpu.memory_space<semaphore_mem>>
      %dma_start3A_306 = arith.constant 0 : i32
      %dma_start3A_307 = tpu.memref_slice %arg11[%add3A_267, %dma_start3A_306] : memref<10240x128xf32, #tpu.memory_space<vmem_shared>> -> memref<128x128xf32, #tpu.memory_space<vmem_shared>>
      %dma_start3A_308 = arith.constant 0 : i32
      %dma_start3A_309 = tpu.memref_slice %arg11[%add3A_267, %dma_start3A_308] : memref<10240x128xf32, #tpu.memory_space<vmem_shared>> -> memref<128x128xf32, #tpu.memory_space<vmem_shared>>
      tpu.enqueue_dma source(%dma_start3A_309 : memref<128x128xf32, #tpu.memory_space<vmem_shared>>) target(%arg9 : memref<128x128xf32, #tpu.memory_space<vmem>>) target_semaphore(%run_scoped3A : memref<!tpu.dma_semaphore, #tpu.memory_space<semaphore_mem>>)
      %dma_wait3A_310 = arith.constant 0 : i32
      %dma_wait3A_311 = tpu.memref_slice %arg11[%add3A_267, %dma_wait3A_310] : memref<10240x128xf32, #tpu.memory_space<vmem_shared>> -> memref<128x128xf32, #tpu.memory_space<vmem_shared>>
      %dma_wait3A_312 = arith.constant 0 : i32
      %dma_wait3A_313 = tpu.memref_slice %arg11[%add3A_267, %dma_wait3A_312] : memref<10240x128xf32, #tpu.memory_space<vmem_shared>> -> memref<128x128xf32, #tpu.memory_space<vmem_shared>>
      tpu.wait_dma2 semaphore(%run_scoped3A : memref<!tpu.dma_semaphore, #tpu.memory_space<semaphore_mem>>) src(%dma_wait3A_313 : memref<128x128xf32, #tpu.memory_space<vmem_shared>>) dst(%arg9 : memref<128x128xf32, #tpu.memory_space<vmem>>)
      tpu.yield
    }) : () -> ()
    %add3A_268 = arith.constant 256 : i32
    %add3A_269 = arith.addi %multiple_of3A_6, %add3A_268 : i32
    %dma_start3A_270 = arith.constant 0 : i32
    %dma_start3A_271 = tpu.memref_slice %arg7[%add3A_269, %dma_start3A_270] : memref<20480x128xf32, #tpu.memory_space<hbm>> -> memref<128x128xf32, #tpu.memory_space<hbm>>
    %dma_start3A_272 = arith.constant 0 : i32
    %dma_start3A_273 = tpu.memref_slice %arg7[%add3A_269, %dma_start3A_272] : memref<20480x128xf32, #tpu.memory_space<hbm>> -> memref<128x128xf32, #tpu.memory_space<hbm>>
    tpu.enqueue_dma source(%arg9 : memref<128x128xf32, #tpu.memory_space<vmem>>) target(%dma_start3A_273 : memref<128x128xf32, #tpu.memory_space<hbm>>) target_semaphore(%arg12 : memref<!tpu.dma_semaphore, #tpu.memory_space<semaphore_mem>>)
    %dma_wait3A_274 = arith.constant 0 : i32
    %dma_wait3A_275 = tpu.memref_slice %arg7[%add3A_257, %dma_wait3A_274] : memref<20480x128xf32, #tpu.memory_space<hbm>> -> memref<128x128xf32, #tpu.memory_space<hbm>>
    %dma_wait3A_276 = arith.constant 0 : i32
    %dma_wait3A_277 = tpu.memref_slice %arg7[%add3A_257, %dma_wait3A_276] : memref<20480x128xf32, #tpu.memory_space<hbm>> -> memref<128x128xf32, #tpu.memory_space<hbm>>
    tpu.wait_dma2 semaphore(%arg13 : memref<!tpu.dma_semaphore, #tpu.memory_space<semaphore_mem>>) src(%arg10 : memref<128x128xf32, #tpu.memory_space<vmem>>) dst(%dma_wait3A_277 : memref<128x128xf32, #tpu.memory_space<hbm>>)
    %add3A_278 = arith.constant 384 : i32
    %add3A_279 = arith.addi %multiple_of3A, %add3A_278 : i32
    "tpu.region"() ({
      %run_scoped3A = tpu.sem_alloc : memref<!tpu.dma_semaphore, #tpu.memory_space<semaphore_mem>>
      %dma_start3A_306 = arith.constant 0 : i32
      %dma_start3A_307 = tpu.memref_slice %arg11[%add3A_279, %dma_start3A_306] : memref<10240x128xf32, #tpu.memory_space<vmem_shared>> -> memref<128x128xf32, #tpu.memory_space<vmem_shared>>
      %dma_start3A_308 = arith.constant 0 : i32
      %dma_start3A_309 = tpu.memref_slice %arg11[%add3A_279, %dma_start3A_308] : memref<10240x128xf32, #tpu.memory_space<vmem_shared>> -> memref<128x128xf32, #tpu.memory_space<vmem_shared>>
      tpu.enqueue_dma source(%dma_start3A_309 : memref<128x128xf32, #tpu.memory_space<vmem_shared>>) target(%arg10 : memref<128x128xf32, #tpu.memory_space<vmem>>) target_semaphore(%run_scoped3A : memref<!tpu.dma_semaphore, #tpu.memory_space<semaphore_mem>>)
      %dma_wait3A_310 = arith.constant 0 : i32
      %dma_wait3A_311 = tpu.memref_slice %arg11[%add3A_279, %dma_wait3A_310] : memref<10240x128xf32, #tpu.memory_space<vmem_shared>> -> memref<128x128xf32, #tpu.memory_space<vmem_shared>>
      %dma_wait3A_312 = arith.constant 0 : i32
      %dma_wait3A_313 = tpu.memref_slice %arg11[%add3A_279, %dma_wait3A_312] : memref<10240x128xf32, #tpu.memory_space<vmem_shared>> -> memref<128x128xf32, #tpu.memory_space<vmem_shared>>
      tpu.wait_dma2 semaphore(%run_scoped3A : memref<!tpu.dma_semaphore, #tpu.memory_space<semaphore_mem>>) src(%dma_wait3A_313 : memref<128x128xf32, #tpu.memory_space<vmem_shared>>) dst(%arg10 : memref<128x128xf32, #tpu.memory_space<vmem>>)
      tpu.yield
    }) : () -> ()
    %add3A_280 = arith.constant 384 : i32
    %add3A_281 = arith.addi %multiple_of3A_6, %add3A_280 : i32
    %dma_start3A_282 = arith.constant 0 : i32
    %dma_start3A_283 = tpu.memref_slice %arg7[%add3A_281, %dma_start3A_282] : memref<20480x128xf32, #tpu.memory_space<hbm>> -> memref<128x128xf32, #tpu.memory_space<hbm>>
    %dma_start3A_284 = arith.constant 0 : i32
    %dma_start3A_285 = tpu.memref_slice %arg7[%add3A_281, %dma_start3A_284] : memref<20480x128xf32, #tpu.memory_space<hbm>> -> memref<128x128xf32, #tpu.memory_space<hbm>>
    tpu.enqueue_dma source(%arg10 : memref<128x128xf32, #tpu.memory_space<vmem>>) target(%dma_start3A_285 : memref<128x128xf32, #tpu.memory_space<hbm>>) target_semaphore(%arg13 : memref<!tpu.dma_semaphore, #tpu.memory_space<semaphore_mem>>)
    %dma_wait3A_286 = arith.constant 0 : i32
    %dma_wait3A_287 = tpu.memref_slice %arg7[%add3A_269, %dma_wait3A_286] : memref<20480x128xf32, #tpu.memory_space<hbm>> -> memref<128x128xf32, #tpu.memory_space<hbm>>
    %dma_wait3A_288 = arith.constant 0 : i32
    %dma_wait3A_289 = tpu.memref_slice %arg7[%add3A_269, %dma_wait3A_288] : memref<20480x128xf32, #tpu.memory_space<hbm>> -> memref<128x128xf32, #tpu.memory_space<hbm>>
    tpu.wait_dma2 semaphore(%arg12 : memref<!tpu.dma_semaphore, #tpu.memory_space<semaphore_mem>>) src(%arg9 : memref<128x128xf32, #tpu.memory_space<vmem>>) dst(%dma_wait3A_289 : memref<128x128xf32, #tpu.memory_space<hbm>>)
    %add3A_290 = arith.constant 512 : i32
    %add3A_291 = arith.addi %multiple_of3A, %add3A_290 : i32
    "tpu.region"() ({
      %run_scoped3A = tpu.sem_alloc : memref<!tpu.dma_semaphore, #tpu.memory_space<semaphore_mem>>
      %dma_start3A_306 = arith.constant 0 : i32
      %dma_start3A_307 = tpu.memref_slice %arg11[%add3A_291, %dma_start3A_306] : memref<10240x128xf32, #tpu.memory_space<vmem_shared>> -> memref<128x128xf32, #tpu.memory_space<vmem_shared>>
      %dma_start3A_308 = arith.constant 0 : i32
      %dma_start3A_309 = tpu.memref_slice %arg11[%add3A_291, %dma_start3A_308] : memref<10240x128xf32, #tpu.memory_space<vmem_shared>> -> memref<128x128xf32, #tpu.memory_space<vmem_shared>>
      tpu.enqueue_dma source(%dma_start3A_309 : memref<128x128xf32, #tpu.memory_space<vmem_shared>>) target(%arg9 : memref<128x128xf32, #tpu.memory_space<vmem>>) target_semaphore(%run_scoped3A : memref<!tpu.dma_semaphore, #tpu.memory_space<semaphore_mem>>)
      %dma_wait3A_310 = arith.constant 0 : i32
      %dma_wait3A_311 = tpu.memref_slice %arg11[%add3A_291, %dma_wait3A_310] : memref<10240x128xf32, #tpu.memory_space<vmem_shared>> -> memref<128x128xf32, #tpu.memory_space<vmem_shared>>
      %dma_wait3A_312 = arith.constant 0 : i32
      %dma_wait3A_313 = tpu.memref_slice %arg11[%add3A_291, %dma_wait3A_312] : memref<10240x128xf32, #tpu.memory_space<vmem_shared>> -> memref<128x128xf32, #tpu.memory_space<vmem_shared>>
      tpu.wait_dma2 semaphore(%run_scoped3A : memref<!tpu.dma_semaphore, #tpu.memory_space<semaphore_mem>>) src(%dma_wait3A_313 : memref<128x128xf32, #tpu.memory_space<vmem_shared>>) dst(%arg9 : memref<128x128xf32, #tpu.memory_space<vmem>>)
      tpu.yield
    }) : () -> ()
    %add3A_292 = arith.constant 512 : i32
    %add3A_293 = arith.addi %multiple_of3A_6, %add3A_292 : i32
    %dma_start3A_294 = arith.constant 0 : i32
    %dma_start3A_295 = tpu.memref_slice %arg7[%add3A_293, %dma_start3A_294] : memref<20480x128xf32, #tpu.memory_space<hbm>> -> memref<128x128xf32, #tpu.memory_space<hbm>>
    %dma_start3A_296 = arith.constant 0 : i32
    %dma_start3A_297 = tpu.memref_slice %arg7[%add3A_293, %dma_start3A_296] : memref<20480x128xf32, #tpu.memory_space<hbm>> -> memref<128x128xf32, #tpu.memory_space<hbm>>
    tpu.enqueue_dma source(%arg9 : memref<128x128xf32, #tpu.memory_space<vmem>>) target(%dma_start3A_297 : memref<128x128xf32, #tpu.memory_space<hbm>>) target_semaphore(%arg12 : memref<!tpu.dma_semaphore, #tpu.memory_space<semaphore_mem>>)
    %dma_wait3A_298 = arith.constant 0 : i32
    %dma_wait3A_299 = tpu.memref_slice %arg7[%add3A_293, %dma_wait3A_298] : memref<20480x128xf32, #tpu.memory_space<hbm>> -> memref<128x128xf32, #tpu.memory_space<hbm>>
    %dma_wait3A_300 = arith.constant 0 : i32
    %dma_wait3A_301 = tpu.memref_slice %arg7[%add3A_293, %dma_wait3A_300] : memref<20480x128xf32, #tpu.memory_space<hbm>> -> memref<128x128xf32, #tpu.memory_space<hbm>>
    tpu.wait_dma2 semaphore(%arg12 : memref<!tpu.dma_semaphore, #tpu.memory_space<semaphore_mem>>) src(%arg9 : memref<128x128xf32, #tpu.memory_space<vmem>>) dst(%dma_wait3A_301 : memref<128x128xf32, #tpu.memory_space<hbm>>)
    %dma_wait3A_302 = arith.constant 0 : i32
    %dma_wait3A_303 = tpu.memref_slice %arg7[%add3A_281, %dma_wait3A_302] : memref<20480x128xf32, #tpu.memory_space<hbm>> -> memref<128x128xf32, #tpu.memory_space<hbm>>
    %dma_wait3A_304 = arith.constant 0 : i32
    %dma_wait3A_305 = tpu.memref_slice %arg7[%add3A_281, %dma_wait3A_304] : memref<20480x128xf32, #tpu.memory_space<hbm>> -> memref<128x128xf32, #tpu.memory_space<hbm>>
    tpu.wait_dma2 semaphore(%arg13 : memref<!tpu.dma_semaphore, #tpu.memory_space<semaphore_mem>>) src(%arg10 : memref<128x128xf32, #tpu.memory_space<vmem>>) dst(%dma_wait3A_305 : memref<128x128xf32, #tpu.memory_space<hbm>>)
    return
  }
}

module attributes {stable_mosaic.version = 14 : i64} {
  func.func @_combine_body(%arg0: i32, %arg1: memref<2x1000x128xf32, #tpu.memory_space<vmem>>, %arg2: memref<2x1000x128xf32, #tpu.memory_space<vmem>>, %arg3: memref<1000x256xf32, #tpu.memory_space<vmem>>) attributes {dimension_semantics = [#tpu.dimension_semantics<arbitrary>], iteration_bounds = array<i64: 10>, scalar_prefetch = 0 : i64, scratch_operands = 0 : i64, tpu.core_type = #tpu.core_type<tc>, window_params = [{transform_indices = @transform_0, window_bounds = array<i64: 2, 1000, 128>}, {transform_indices = @transform_1, window_bounds = array<i64: 2, 1000, 128>}, {transform_indices = @transform_2, window_bounds = array<i64: 1000, 256>}]} {
    %get3A = arith.constant 0 : index
    %get3A_0 = arith.constant 0 : index
    %get3A_1 = arith.constant 0 : index
    %get3A_2 = vector.load %arg1[%get3A, %get3A_0, %get3A_1] : memref<2x1000x128xf32, #tpu.memory_space<vmem>>, vector<1x1000x128xf32>
    %get3A_3 = vector.shape_cast %get3A_2 : vector<1x1000x128xf32> to vector<1000x128xf32>
    %get3A_4 = arith.constant 1 : index
    %get3A_5 = arith.constant 0 : index
    %get3A_6 = arith.constant 0 : index
    %get3A_7 = vector.load %arg1[%get3A_4, %get3A_5, %get3A_6] : memref<2x1000x128xf32, #tpu.memory_space<vmem>>, vector<1x1000x128xf32>
    %get3A_8 = vector.shape_cast %get3A_7 : vector<1x1000x128xf32> to vector<1000x128xf32>
    %add3A = arith.addf %get3A_3, %get3A_8 : vector<1000x128xf32>
    %get3A_9 = arith.constant 0 : index
    %get3A_10 = arith.constant 0 : index
    %get3A_11 = arith.constant 0 : index
    %get3A_12 = vector.load %arg2[%get3A_9, %get3A_10, %get3A_11] : memref<2x1000x128xf32, #tpu.memory_space<vmem>>, vector<1x1000x1xf32>
    %get3A_13 = vector.shape_cast %get3A_12 : vector<1x1000x1xf32> to vector<1000x1xf32>
    %get3A_14 = arith.constant 1 : index
    %get3A_15 = arith.constant 0 : index
    %get3A_16 = arith.constant 0 : index
    %get3A_17 = vector.load %arg2[%get3A_14, %get3A_15, %get3A_16] : memref<2x1000x128xf32, #tpu.memory_space<vmem>>, vector<1x1000x1xf32>
    %get3A_18 = vector.shape_cast %get3A_17 : vector<1x1000x1xf32> to vector<1000x1xf32>
    %add3A_19 = arith.addf %get3A_13, %get3A_18 : vector<1000x1xf32>
    %max3A = arith.constant 1.000000e+00 : f32
    %max3A_20 = vector.broadcast %max3A : f32 to vector<1000x1xf32>
    %max3A_21 = arith.maximumf %add3A_19, %max3A_20 : vector<1000x1xf32>
    %div3A = vector.broadcast %max3A_21 : vector<1000x1xf32> to vector<1000x128xf32>
    %div3A_22 = arith.divf %add3A, %div3A : vector<1000x128xf32>
    %swap3A = arith.constant 0 : index
    %swap3A_23 = arith.constant 0 : index
    %swap3A_24 = vector.load %arg3[%swap3A, %swap3A_23] : memref<1000x256xf32, #tpu.memory_space<vmem>>, vector<1000x128xf32>
    tpu.vector_store %arg3[%swap3A, %swap3A_23], %add3A {strides = array<i32>} : memref<1000x256xf32, #tpu.memory_space<vmem>>, vector<1000x128xf32>,
    %swap3A_25 = arith.constant 0 : index
    %swap3A_26 = arith.constant 128 : index
    %swap3A_27 = vector.load %arg3[%swap3A_25, %swap3A_26] : memref<1000x256xf32, #tpu.memory_space<vmem>>, vector<1000x128xf32>
    tpu.vector_store %arg3[%swap3A_25, %swap3A_26], %div3A_22 {strides = array<i32>} : memref<1000x256xf32, #tpu.memory_space<vmem>>, vector<1000x128xf32>,
    return
  }
  func.func @transform_0(%arg0: i32) -> (i32, i32, i32) {
    %c0_i32 = arith.constant 0 : i32
    %c0_i32_0 = arith.constant 0 : i32
    %c0_i32_1 = arith.constant 0 : i32
    return %c0_i32, %arg0, %c0_i32_0 : i32, i32, i32
  }
  func.func @transform_1(%arg0: i32) -> (i32, i32, i32) {
    %c0_i32 = arith.constant 0 : i32
    %c0_i32_0 = arith.constant 0 : i32
    %c0_i32_1 = arith.constant 0 : i32
    return %c0_i32, %arg0, %c0_i32_0 : i32, i32, i32
  }
  func.func @transform_2(%arg0: i32) -> (i32, i32) {
    %c0_i32 = arith.constant 0 : i32
    %c0_i32_0 = arith.constant 0 : i32
    return %arg0, %c0_i32 : i32, i32
  }
}

</mosaic_0001>

<sc_bundles>
// kernel: kernel.4.cloned.1.call-start
scs
__scs_entry_jumppad:
0x0: {  	(pc) =	sbr.rel $0x88, $3  }
0x1: {  	(tag) =	ssettag $0x0;
	lr =	simm.s32 $0x1  }
0x2: {  	[smem:$0x3F9F] =	sst lr;
	_ =	strace $0xD0000000  }
0x3: {  	_ = 	snop  }
0x4: {  	_ = 	snop  }
0x5: {  	_ = 	snop  }
0x6: {  	_ = 	snop  }
0x7: {  	_ = 	snop  }
__scs_overlays_trampoline_lowered:
0x8: {  	[smem:$0x3FAE] =	sst s0  }
0x9: {  	[smem:$0x3FAF] =	sst s1  }
0xa: {  	[smem:$0x3FB0] =	sst s2  }
0xb: {  	[smem:$0x3FB1] =	sst s3  }
0xc: {  	[smem:$0x3FB2] =	sst s4  }
0xd: {  	[smem:$0x3FB3] =	sst s5  }
0xe: {  	[smem:$0x3FB4] =	sst s6  }
0xf: {  	[smem:$0x3FB5] =	sst s7  }
0x10: {  	[smem:$0x3FB6] =	sst s8  }
0x11: {  	[smem:$0x3FB7] =	sst s9;
	s0 =	simm.s32 @!p0 $0x0  }
0x12: {  	s1 =	sld [smem:$0x3F9D];
	s0 =	simm.s32 @p0 $0x1  }
0x13: {  	[smem:$0x3FB8] =	sst s0;
	s0 =	simm.s32 @!p1 $0x0  }
0x14: {  	s2 =	sld [smem:$0x3F9C];
	s0 =	simm.s32 @p1 $0x1  }
0x15: {  	[smem:$0x3FB9] =	sst s0;
	s0 =	simm.s32 @!p2 $0x0  }
0x16: {  	s3 =	sld [smem:$0x3FDB];
	s0 =	simm.s32 @p2 $0x1  }
0x17: {  	s4 =	simm.s32 $0x1BF5;
	[smem:$0x3FBB] =	sst s0  }
0x18: {  	s0 =	sld [smem:$0x3F9E];
	_ =	swait.ge [sflag:s4], $0x0  }
0x19: {  	s7 =	sld [smem:$0x3F9F]  }
0x1a: {  	s8 =	sadd.s32 $0xFFFFE003, lr  }
0x1b: {  	s9 =	sadd.s32 $0xFFFFFEF7, lr;
	s5 =	simm.s32 $0xFFFFFFFF;
	p2 =	slt.u32 s8, $0xFFFFF086  }
0x1c: {  	p1 =	slt.u32 s9, $0xF7A;
	s5 =	simm.s32 @!p2 $0x0  }
0x1d: {  	s5 =	simm.s32 @p1 $0x1;
	p0 =	seq.s32 s7, s2  }
0x1e: {  	s7 =	smul.u32 @!p0 $0xF7A, s2;
	p2 =	seq.s32 @!p0 s5, $0x0  }
0x1f: {  	s9 =	smul.u32 $0xF7A, s1;
	s8 =	simm.s32 @!p0 $0x1BF5;
	p2 =	por !p2, p0  }
0x20: {  	[sflag:s8] =	ssyncset.s32 @!p0 $0xFFFFF086;
	s6 =	sadd.s32 @!p0 s3, s7;
	s7 =	simm.s32 @!p0 $0x108  }
0x21: {  	s3 =	sadd.s32 s3, s9;
	s6 =	sadd.s32 @!p0 $0x88, s6;
	s7 =	simm.s32 @p2 $0x1082  }
0x22: {  	[simem:s7], [sflag:s8] =	dma.local @!p0 [hbm:s6], $0xF7A  }
0x23: {  	s9 =	sor.u32 $0xD0000000, s2;
	s6 =	simm.s32 $0x108;
	_ =	swait.ge @!p0 [sflag:s8], $0x0  }
0x24: {  	s3 =	sadd.s32 $0x88, s3;
	s6 =	simm.s32 @!p1 $0x1082;
	[sflag:s4] =	ssyncset.s32 $0xFFFFF086  }
0x25: {  	[simem:s6], [sflag:s4] =	dma.local [hbm:s3], $0xF7A  }
0x26: {  	[smem:$0x3F9F] =	sst s1;
	(tag) =	ssettag s2;
	_ =	strace s9  }
0x27: {  	s1 =	sld [smem:$0x3FAF]  }
0x28: {  	s2 =	sld [smem:$0x3FB0]  }
0x29: {  	s4 =	sld [smem:$0x3FB2]  }
0x2a: {  	p0 =	seq.s32 s5, $0x0;
	s5 =	sld [smem:$0x3FB3]  }
0x2b: {  	s6 =	sld [smem:$0x3FB4]  }
0x2c: {  	s7 =	sld [smem:$0x3FB5]  }
0x2d: {  	s3 =	simm.s32 $0x108;
	s8 =	sld [smem:$0x3FB6]  }
0x2e: {  	s3 =	simm.s32 @!p0 $0x1082;
	s9 =	sld [smem:$0x3FB7]  }
0x2f: {  	lr =	sadd.s32 s0, s3;
	s0 =	sld [smem:$0x3FAE]  }
0x30: {  	s3 =	sld [smem:$0x3FB1]  }
0x31: {  	[smem:$0x3FBA] =	sst s10  }
0x32: {  	s10 =	sld [smem:$0x3FB8];
	_ =	sdelay $0x3  }
0x33: {  	p0 =	seq.s32 s10, $0x1;
	s10 =	sld [smem:$0x3FBA];
	_ =	sdelay $0x3  }
0x34: {  	[smem:$0x3FBA] =	sst s10  }
0x35: {  	s10 =	sld [smem:$0x3FB9];
	_ =	sdelay $0x3  }
0x36: {  	p1 =	seq.s32 s10, $0x1;
	s10 =	sld [smem:$0x3FBA];
	_ =	sdelay $0x3  }
0x37: {  	[smem:$0x3FBA] =	sst s10  }
0x38: {  	s10 =	sld [smem:$0x3FBB]  }
0x39: {  	_ = 	snop;
	(pc) =	sbr.ind lr, $3  }
0x3a: {  	_ = 	snop  }
0x3b: {  	_ = 	snop  }
0x3c: {  	p2 =	seq.s32 s10, $0x1;
	s10 =	sld [smem:$0x3FBA]  }
0x3d: {  	_ =	shalt  }
0x3e: {  	_ =	shalt  }
0x3f: {  	_ =	shalt  }
0x40: {  	_ =	shalt  }
0x41: {  	_ =	shalt  }
0x42: {  	_ =	shalt  }
0x43: {  	_ =	shalt  }
0x44: {  	_ =	shalt  }
0x45: {  	_ =	shalt  }
0x46: {  	_ =	shalt  }
0x47: {  	_ =	shalt  }
0x48: {  	_ =	shalt  }
0x49: {  	_ =	shalt  }
0x4a: {  	_ =	shalt  }
0x4b: {  	_ =	shalt  }
0x4c: {  	_ =	shalt  }
0x4d: {  	_ =	shalt  }
0x4e: {  	_ =	shalt  }
0x4f: {  	_ =	shalt  }
0x50: {  	_ =	shalt  }
0x51: {  	_ =	shalt  }
0x52: {  	_ =	shalt  }
0x53: {  	_ =	shalt  }
0x54: {  	_ =	shalt  }
0x55: {  	_ =	shalt  }
0x56: {  	_ =	shalt  }
0x57: {  	_ =	shalt  }
0x58: {  	_ =	shalt  }
0x59: {  	_ =	shalt  }
0x5a: {  	_ =	shalt  }
0x5b: {  	_ =	shalt  }
0x5c: {  	_ =	shalt  }
0x5d: {  	_ =	shalt  }
0x5e: {  	_ =	shalt  }
0x5f: {  	_ =	shalt  }
0x60: {  	_ =	shalt  }
0x61: {  	_ =	shalt  }
0x62: {  	_ =	shalt  }
0x63: {  	_ =	shalt  }
0x64: {  	_ =	shalt  }
0x65: {  	_ =	shalt  }
0x66: {  	_ =	shalt  }
0x67: {  	_ =	shalt  }
0x68: {  	_ =	shalt  }
0x69: {  	_ =	shalt  }
0x6a: {  	_ =	shalt  }
0x6b: {  	_ =	shalt  }
0x6c: {  	_ =	shalt  }
0x6d: {  	_ =	shalt  }
0x6e: {  	_ =	shalt  }
0x6f: {  	_ =	shalt  }
0x70: {  	_ =	shalt  }
0x71: {  	_ =	shalt  }
0x72: {  	_ =	shalt  }
0x73: {  	_ =	shalt  }
0x74: {  	_ =	shalt  }
0x75: {  	_ =	shalt  }
0x76: {  	_ =	shalt  }
0x77: {  	_ =	shalt  }
0x78: {  	_ =	shalt  }
0x79: {  	_ =	shalt  }
0x7a: {  	_ =	shalt  }
0x7b: {  	_ =	shalt  }
0x7c: {  	_ =	shalt  }
0x7d: {  	_ =	shalt  }
0x7e: {  	_ =	shalt  }
0x7f: {  	_ =	shalt  }
0x80: {  	_ =	shalt  }
0x81: {  	_ =	shalt  }
0x82: {  	_ =	shalt  }
0x83: {  	_ =	shalt  }
0x84: {  	_ =	shalt  }
0x85: {  	_ =	shalt  }
0x86: {  	_ =	shalt  }
0x87: {  	_ =	shalt  }
.Lfunc_end0:
.L_simem_size_0:
called_computation_lowered:
.L_overlay_start_0:
0x88: {  	s2 =	sld [smem:$0x3FD9]  }
0x89: {  	s3 =	sld [smem:$0x3FFE];
	_ =	sdelay $0x1  }
0x8a: {  	s1 =	srdreg.scid  }
0x8b: {  	s0 =	sand.u32 $0x1, s1  }
0x8c: {  	s17 =	sshll.u32 s0, $0xA;
	s2 =	sadd.s32 s3, s2  }
0x8d: {  	s2 =	sadd.s32 s2, s17  }
0x8e: {  	[smem:$0x3FC6] =	sst s2  }
0x8f: {  	_ = 	snop  }
0x90: {  	s2 =	sld [smem:$0x3FC9]  }
0x91: {  	s18 =	sld [smem:$0x3FD0];
	(tm) =	ssettm $0x1  }
0x92: {  	s4 =	sld [smem:$0x3FFB];
	_ =	sdelay $0x3  }
0x93: {  	_ =	strace s4  }
0x94: {  	s4 =	sld [smem:$0x3FFC];
	_ =	sdelay $0x3  }
0x95: {  	_ =	strace s4  }
0x96: {  	s4 =	sld [smem:$0x3FFD];
	_ =	sdelay $0x3  }
0x97: {  	_ =	strace s4  }
0x98: {  	_ =	strace $0x8FFFFFFF  }
0x99: {  	s19 =	sld [smem:$0x3FDB];
	_ =	sdelay $0x1  }
0x9a: {  	s5 =	simm.s32 $_scs_section_size  }
0x9b: {  	s6 =	simm.s32 $_size__tile_overlayer_lowered;
	s7 =	simm.s32 $_tile_overlayer_lowered  }
0x9c: {  	s22 =	simm.s32 $0x1BFF;
	s21 =	sshll.u32 s7, $0x1;
	s4 =	sadd.s32 s5, s19  }
0x9d: {  	s8 =	simm.s32 $0x0;
	s20 =	sshll.u32 s6, $0x1;
	s6 =	sadd.s32 s21, s4  }
0x9e: {  	[timem:s8], [sflag:s22] =	dma.local [hbm:s6], s20  }
0x9f: {  	_ =	swait.ge [sflag:s22], s20  }
0xa0: {  	s5 =	ssub.s32 $0x0, s20;
	[sflag:s22] =	ssyncset.done $0x0  }
0xa1: {  	[sflag:s22] =	ssyncadd.s32 s5;
	_ =	sdelay $0x1  }
0xa2: {  	s23 =	simm.s32 $0x1B8B  }
0xa3: {  	_ =	swait.ge [sflag:s23], $0x1  }
0xa4: {  	[sflag:s23] =	ssyncset.done $0x0  }
0xa5: {  	s25 =	simm.s32 $0x1B8E;
	s24 =	sld [smem:$0x3FFE];
	[sflag:s23] =	ssyncadd.s32 $0xFFFFFFFF  }
0xa6: {  	s26 =	simm.s32 $execute0_lowered;
	[smem:$0x3FD2] =	sst s25  }
0xa7: {  	s6 =	sshll.u32 s26, $0x1;
	_ =	strace $0x80000046;
	[dreg:$0x1] =	wrdreg $0xFFFFFFFF  }
0xa8: {  	s28 =	simm.s32 $_size_execute0_lowered;
	s4 =	sadd.s32 s4, s6;
	[dreg:$0x0] =	wrdreg $0x0  }
0xa9: {  	s6 =	sshll.u32 s28, $0x1;
	[dreg:$0x2] =	wrdreg s4  }
0xaa: {  	[dreg:$0x3] =	wrdreg s6  }
0xab: {  	[dreg:$0x4] =	wrdreg $0xC0  }
0xac: {  	_ =	task [dreg:s8], $0x5FFFF  }
0xad: {  	[dreg:$0x1] =	wrdreg $0xFFFFFFFF  }
0xae: {  	[dreg:$0x0] =	wrdreg $0x60  }
0xaf: {  	[dreg:$0x2] =	wrdreg s2  }
0xb0: {  	[dreg:$0x3] =	wrdreg s18  }
0xb1: {  	[dreg:$0x4] =	wrdreg s24  }
0xb2: {  	[dreg:$0x5] =	wrdreg $0xA8000  }
0xb3: {  	[dreg:$0x6] =	wrdreg $0x9  }
0xb4: {  	_ =	task.clear_ibuf [dreg:s8], $0x7FFFF;
	_ =	strace $0x90000046  }
0xb5: {  	s29 =	simm.s32 $0x9;
	_ =	strace $0x80000048  }
0xb6: {  	_ =	swait.ge [sflag:s29], $0x1  }
0xb7: {  	[sflag:s29] =	ssyncadd.s32 $0xFFFFFFFF  }
0xb8: {  	_ =	strace $0x90000048  }
0xb9: {  	_ =	sfence  }
0xba: {  	s30 =	sld [smem:$0x0];
	_ =	sdelay $0x2  }
0xbb: {  	s31 =	sshll.u32 s1, $0xD;
	s1 =	sshrl.u32 s1, $0x2  }
0xbc: {  	s3 =	sand.u32 $0x4000, s31;
	s1 =	sadd.s32 s1, s30  }
0xbd: {  	s0 =	sor.u32 s3, s0;
	s1 =	sshll.u32 s1, $0x11  }
0xbe: {  	s0 =	sor.u32 s1, s0  }
0xbf: {  	s0 =	sadd.s32 $0x8F2B, s0  }
0xc0: {  	[sflag:s0] =	ssyncadd.remote.s32 $0x1  }
0xc1: {  	_ =	sfence.sel $0xFFFF  }
0xc2: {  	[dreg:$0x0] =	wrdreg $0xFFFFFFFF;
	(pc) =	sbr.abs _section_cstart, $3  }
0xc3: {  	[dreg:$0x1] =	wrdreg $0xFFFFFFFF  }
0xc4: {  	_ =	task.clear_ibuf [dreg:s8], $0x2FFFF;
	_ =	strace $0x9FFFFFFF  }
0xc5: {  	(tm) =	ssettm $0x7FFFFFFF  }
tec
execute0_lowered:
.L_overlay_start_1:
0x0: {  	(tag) =	ssettag $0x1  }
0x1: {  	s1 =	rddreg [dreg:$0x0]  }
0x2: {  	s0 =	rddreg [dreg:$0x1]  }
0x3: {  	s4 =	rddreg [dreg:$0x2]  }
0x4: {  	s2 =	rddreg [dreg:$0x3];
	s3 =	simm.s32 $0x0;
	s15 =	stileid.u32  }
0x5: {  	s7 =	srdreg.scid;
	s28 =	simm.s32 $0x5;
	s29 =	simm.s32 $0x2800  }
0x6: {  	s30 =	simm.s32 $0x6800;
	s31 =	simm.s32 $0x1;
	[smem:$0x7FF] =	sst s3  }
0x7: {  	s5 =	sadd.s32 $0x1400, s4;
	s6 =	sadd.s32 $0xC00, s4;
	s8 =	smul.u32 $0x280, s15  }
0x8: {  	s18 =	sadd.s32 $0x1C00, s4;
	s4 =	sadd.s32 $0x51C00, s4;
	s10 =	smul.u32 $0x50000, s15  }
0x9: {  	s7 =	sand.u32 $0x1, s7;
	s9 =	sshll.u32 s15, $0x1;
	s26 =	smul.u32 $0x5000, s15  }
0xa: {  	s11 =	ssub.s32 $0x2, s7;
	s12 =	sor.u32 s7, s9;
	s13 =	smul.u32 $0x2800, s7  }
0xb: {  	_ =	strace $0x80000047;
	s20 =	sshrl.u32 s11, $0x1;
	s9 =	smul.u32 $0x500, s12  }
0xc: {  	[dreg:$0x5] =	wrdreg s6;
	s10 =	sshrl.u32 s10, $0x2;
	s11 =	ssub.s32 s11, s20  }
0xd: {  	s8 =	sadd.s32 s8, s13;
	s7 =	sadd.s32 s10, s2;
	s0 =	sadd.s32 s0, s9  }
0xe: {  	s9 =	sadd.s32 $0x4000, s7;
	s21 =	sshll.u32 s8, $0x4;
	s10 =	sadd.s32 $0x8000, s7  }
0xf: {  	s8 =	smul.u32 $0x28000, s12;
	[dreg:$0x6] =	wrdreg s0;
	s22 =	sadd.s32 $0x800, s21  }
0x10: {  	s14 =	sadd.s32 s18, s21;
	s24 =	sadd.s32 $0x1000, s21;
	s19 =	sadd.s32 $0x1800, s21  }
0x11: {  	s20 =	sadd.s32 $0x2000, s21;
	s0 =	sadd.s32 s13, s26;
	[dreg:$0x7] =	wrdreg s14  }
0x12: {  	s23 =	sadd.s32 s18, s22;
	s16 =	sadd.s32 s18, s24;
	s25 =	sadd.s32 s18, s19  }
0x13: {  	s6 =	sadd.s32 s18, s20;
	s17 =	sadd.s32 s4, s22;
	s18 =	sadd.s32 s4, s24  }
0x14: {  	s19 =	sadd.s32 s4, s19;
	s20 =	sadd.s32 s4, s20;
	[dreg:$0x8] =	wrdreg s23  }
0x15: {  	s22 =	sadd.s32 $0x10000, s7;
	s24 =	smax.u32 s11, $0x1;
	[dreg:$0x9] =	wrdreg s16  }
0x16: {  	s13 =	sor.u32 $0x180, s0;
	s0 =	simm.s32 $0x80;
	[dreg:$0xa] =	wrdreg s25  }
0x17: {  	s11 =	simm.s32 $0x0;
	[dreg:$0xb] =	wrdreg s6;
	s16 =	sadd.s32 s4, s21  }
0x18: {  	s21 =	sadd.s32 $0xC000, s7;
	s23 =	sadd.s32 s1, s8;
	s4 =	simm.s32 $0x2  }
0x19: {  	s6 =	simm.s32 $0x3;
	s8 =	simm.s32 $0x4;
	s26 =	sadd.s32 $0x800, s23  }
.LBB2_1:
0x1a: {  	s12 =	rddreg [dreg:$0x6]  }
0x1b: {  	[tilespmem:s3], [sflag:$0x5] =	stream.linear.gather [hbm4b:s12+s3], $0x2800, $0x38;
	[tilespmem:$0x1E800] =	vst v63  }
0x1c: {  	_ =	swait.ge [sflag:s28], $0x2800  }
0x1d: {  	[sflag:s28] =	ssyncset.done $0x0  }
0x1e: {  	[sflag:s28] =	ssyncadd.s32 $0xFFFFD800  }
0x1f: {  	[tilespmem:s29], [sflag:$0x5] =	stream.linear.gather [hbm4b:s5+s3], $0x4000, $0x38;
	[tilespmem:$0x1E800] =	vst v63  }
0x20: {  	_ =	swait.ge [sflag:s28], $0x4000  }
0x21: {  	[sflag:s28] =	ssyncset.done $0x0  }
0x22: {  	[sflag:s28] =	ssyncadd.s32 $0xFFFFC000  }
0x23: {  	[spmem:s7] =	stream.linear.scatter [tilespmem:s29], [sflag:$0x5], $0x4000, $0x38;
	[tilespmem:$0x1E800] =	vst v63  }
0x24: {  	_ =	swait.ge [sflag:s28], $0x4000  }
0x25: {  	[sflag:s28] =	ssyncset.done $0x0  }
0x26: {  	[sflag:s28] =	ssyncadd.s32 $0xFFFFC000  }
0x27: {  	[spmem:s9] =	stream.linear.scatter [tilespmem:s29], [sflag:$0x5], $0x4000, $0x38;
	[tilespmem:$0x1E800] =	vst v63  }
0x28: {  	_ =	swait.ge [sflag:s28], $0x4000  }
0x29: {  	[sflag:s28] =	ssyncset.done $0x0  }
0x2a: {  	[sflag:s28] =	ssyncadd.s32 $0xFFFFC000  }
0x2b: {  	[spmem:s10] =	stream.linear.scatter [tilespmem:s29], [sflag:$0x5], $0x4000, $0x38;
	[tilespmem:$0x1E800] =	vst v63  }
0x2c: {  	_ =	swait.ge [sflag:s28], $0x4000  }
0x2d: {  	[sflag:s28] =	ssyncset.done $0x0  }
0x2e: {  	[sflag:s28] =	ssyncadd.s32 $0xFFFFC000  }
0x2f: {  	[spmem:s21] =	stream.linear.scatter [tilespmem:s29], [sflag:$0x5], $0x4000, $0x38;
	[tilespmem:$0x1E800] =	vst v63  }
0x30: {  	_ =	swait.ge [sflag:s28], $0x4000  }
0x31: {  	[sflag:s28] =	ssyncset.done $0x0  }
0x32: {  	[sflag:s28] =	ssyncadd.s32 $0xFFFFC000  }
0x33: {  	[spmem:s22] =	stream.linear.scatter [tilespmem:s29], [sflag:$0x5], $0x4000, $0x38;
	[tilespmem:$0x1E800] =	vst v63  }
0x34: {  	_ =	swait.ge [sflag:s28], $0x4000  }
0x35: {  	[sflag:s28] =	ssyncset.done $0x0  }
0x36: {  	[sflag:s28] =	ssyncadd.s32 $0xFFFFC000  }
0x37: {  	[bflag:$0x0] =	sbarrier.arrive $0xFFFF  }
0x38: {  	[tilespmem:s29], [sflag:$0x1] =	stream.linear.gather [hbm4b:s23+s3], $0x4000, $0x38;
	[tilespmem:$0x1E800] =	vst v63  }
0x39: {  	_ = 	snop  }
0x3a: {  	[tilespmem:s30], [sflag:$0x2] =	stream.linear.gather [hbm4b:s26+s3], $0x4000, $0x38;
	[tilespmem:$0x1E800] =	vst v63  }
0x3b: {  	_ =	swait.ge [sflag:s31], $0x4000  }
0x3c: {  	[sflag:s31] =	ssyncset.done $0x0  }
0x3d: {  	s14 =	simm.s32 $0x0;
	[sflag:s31] =	ssyncadd.s32 $0xFFFFC000  }
0x3e: {  	[spmem:s2] =	stream.indirect.scatter.add.f32 [tilespmem:s29], [sflag:$0x3], $0x80, s14, s0, $0xb8;
	[tilespmem:$0x1E800] =	vst v63  }
0x3f: {  	_ =	swait.ge [sflag:s4], $0x4000  }
0x40: {  	s14 =	sadd.s32 $0xFFFFFF80, s13;
	[sflag:s4] =	ssyncset.done $0x0  }
0x41: {  	s15 =	simm.s32 $0x80;
	p0 =	slt.s32 s14, $0x4E180;
	[sflag:s4] =	ssyncadd.s32 $0xFFFFC000  }
0x42: {  	[spmem:s2] =	stream.indirect.scatter.add.f32 [tilespmem:s30], [sflag:$0x4], $0x80, s15, s0, $0xb8;
	[tilespmem:$0x1E800] =	vst v63  }
0x43: {  	s14 =	simm.s32 @!p0 $0x4E180;
	_ =	swait.ge [sflag:s6], $0x4000  }
0x44: {  	p0 =	slt.s32 s13, $0x4E180;
	s25 =	sshll.u32 s14, $0x4;
	[sflag:s6] =	ssyncset.done $0x0  }
0x45: {  	s14 =	smov.u32 s13;
	s12 =	sadd.s32 s1, s25;
	[sflag:s6] =	ssyncadd.s32 $0xFFFFC000  }
0x46: {  	[tilespmem:s29], [sflag:$0x1] =	stream.linear.gather [hbm4b:s12+s3], $0x4000, $0x38;
	[tilespmem:$0x1E800] =	vst v63  }
0x47: {  	s14 =	simm.s32 @!p0 $0x4E180;
	s25 =	smov.u32 s13;
	_ =	swait.ge [sflag:s8], $0x4000  }
0x48: {  	s14 =	sshll.u32 s14, $0x4;
	s12 =	simm.s32 $0x400;
	[sflag:s8] =	ssyncset.done $0x0  }
.LBB2_2:
0x49: {  	[sflag:s8] =	ssyncadd.s32 $0xFFFFC000  }
0x4a: {  	s14 =	sadd.s32 s1, s14;
	s25 =	sadd.s32 $0x100, s25;
	s15 =	smov.u32 s12  }
0x4b: {  	[tilespmem:s30], [sflag:$0x2] =	stream.linear.gather [hbm4b:s14+s3], $0x4000, $0x38;
	[tilespmem:$0x1E800] =	vst v63  }
0x4c: {  	p0 =	sne.s32 s12, $0x9C00;
	s12 =	sadd.s32 $0x400, s12;
	_ =	swait.ge [sflag:s31], $0x4000  }
0x4d: {  	[sflag:s31] =	ssyncset.done $0x0  }
0x4e: {  	s14 =	sshra.s32 s15, $0x2;
	[sflag:s31] =	ssyncadd.s32 $0xFFFFC000  }
0x4f: {  	[spmem:s2] =	stream.indirect.scatter.add.f32 [tilespmem:s29], [sflag:$0x3], $0x80, s14, s0, $0xb8;
	[tilespmem:$0x1E800] =	vst v63  }
0x50: {  	_ =	swait.ge [sflag:s4], $0x4000  }
0x51: {  	[sflag:s4] =	ssyncset.done $0x0  }
0x52: {  	s15 =	sadd.s32 $0xFFFFFF80, s25;
	s14 =	sadd.s32 $0x80, s14;
	[sflag:s4] =	ssyncadd.s32 $0xFFFFC000  }
0x53: {  	[spmem:s2] =	stream.indirect.scatter.add.f32 [tilespmem:s30], [sflag:$0x4], $0x80, s14, s0, $0xb8;
	[tilespmem:$0x1E800] =	vst v63  }
0x54: {  	p1 =	slt.s32 s15, $0x4E180;
	_ =	swait.ge [sflag:s6], $0x4000  }
0x55: {  	s15 =	simm.s32 @!p1 $0x4E180;
	[sflag:s6] =	ssyncset.done $0x0  }
0x56: {  	s14 =	sshll.u32 s15, $0x4;
	[sflag:s6] =	ssyncadd.s32 $0xFFFFC000  }
.Ltmp0:
0x57: {  	p1 =	slt.s32 s25, $0x4E180;
	s14 =	sadd.s32 s1, s14;
	(pc) =	sbr.rel @p0 .LBB2_2-.Ltmp0, $4  }
0x58: {  	[tilespmem:s29], [sflag:$0x1] =	stream.linear.gather [hbm4b:s14+s3], $0x4000, $0x38;
	[tilespmem:$0x1E800] =	vst v63  }
0x59: {  	s14 =	smov.u32 s25  }
0x5a: {  	_ =	swait.ge [sflag:s8], $0x4000;
	s14 =	simm.s32 @!p1 $0x4E180  }
0x5b: {  	[sflag:s8] =	ssyncset.done $0x0;
	s14 =	sshll.u32 s14, $0x4  }
0x5c: {  	[sflag:s8] =	ssyncadd.s32 $0xFFFFC000;
	s12 =	sadd.s32 s1, s14  }
0x5d: {  	[tilespmem:s30], [sflag:$0x2] =	stream.linear.gather [hbm4b:s12+s3], $0x4000, $0x38;
	[tilespmem:$0x1E800] =	vst v63  }
0x5e: {  	_ =	swait.ge [sflag:s31], $0x4000  }
0x5f: {  	[sflag:s31] =	ssyncset.done $0x0  }
0x60: {  	[sflag:s31] =	ssyncadd.s32 $0xFFFFC000  }
0x61: {  	_ =	swait.ge [sflag:s4], $0x4000  }
0x62: {  	[sflag:s4] =	ssyncset.done $0x0  }
0x63: {  	[sflag:s4] =	ssyncadd.s32 $0xFFFFC000  }
0x64: {  	[bflag:$0x0] =	sbarrier.arrive $0xFFFF  }
0x65: {  	[tilespmem:s29], [sflag:$0x5] =	stream.linear.gather [spmem:s7], $0x4000, $0x38;
	[tilespmem:$0x1E800] =	vst v63  }
0x66: {  	_ =	swait.ge [sflag:s28], $0x4000  }
0x67: {  	[sflag:s28] =	ssyncset.done $0x0  }
0x68: {  	s14 =	rddreg [dreg:$0x7];
	[sflag:s28] =	ssyncadd.s32 $0xFFFFC000  }
0x69: {  	[hbm4b:s14+s3] =	stream.linear.scatter [tilespmem:s29], [sflag:$0x1], $0x4000, $0x38;
	[tilespmem:$0x1E800] =	vst v63  }
0x6a: {  	_ = 	snop  }
0x6b: {  	[tilespmem:s30], [sflag:$0x5] =	stream.linear.gather [spmem:s9], $0x4000, $0x38;
	[tilespmem:$0x1E800] =	vst v63  }
0x6c: {  	_ =	swait.ge [sflag:s28], $0x4000  }
0x6d: {  	[sflag:s28] =	ssyncset.done $0x0  }
0x6e: {  	s15 =	rddreg [dreg:$0x8];
	[sflag:s28] =	ssyncadd.s32 $0xFFFFC000  }
0x6f: {  	[hbm4b:s15+s3] =	stream.linear.scatter [tilespmem:s30], [sflag:$0x2], $0x4000, $0x38;
	[tilespmem:$0x1E800] =	vst v63  }
0x70: {  	_ =	swait.ge [sflag:s31], $0x4000  }
0x71: {  	[sflag:s31] =	ssyncset.done $0x0  }
0x72: {  	[sflag:s31] =	ssyncadd.s32 $0xFFFFC000  }
0x73: {  	[tilespmem:s29], [sflag:$0x5] =	stream.linear.gather [spmem:s10], $0x4000, $0x38;
	[tilespmem:$0x1E800] =	vst v63  }
0x74: {  	_ =	swait.ge [sflag:s28], $0x4000  }
0x75: {  	[sflag:s28] =	ssyncset.done $0x0  }
0x76: {  	s25 =	rddreg [dreg:$0x9];
	[sflag:s28] =	ssyncadd.s32 $0xFFFFC000  }
0x77: {  	[hbm4b:s25+s3] =	stream.linear.scatter [tilespmem:s29], [sflag:$0x1], $0x4000, $0x38;
	[tilespmem:$0x1E800] =	vst v63  }
0x78: {  	_ =	swait.ge [sflag:s4], $0x4000  }
0x79: {  	[sflag:s4] =	ssyncset.done $0x0  }
0x7a: {  	[sflag:s4] =	ssyncadd.s32 $0xFFFFC000  }
0x7b: {  	[tilespmem:s30], [sflag:$0x5] =	stream.linear.gather [spmem:s21], $0x4000, $0x38;
	[tilespmem:$0x1E800] =	vst v63  }
0x7c: {  	_ =	swait.ge [sflag:s28], $0x4000  }
0x7d: {  	[sflag:s28] =	ssyncset.done $0x0  }
0x7e: {  	s14 =	rddreg [dreg:$0xa];
	[sflag:s28] =	ssyncadd.s32 $0xFFFFC000  }
0x7f: {  	[hbm4b:s14+s3] =	stream.linear.scatter [tilespmem:s30], [sflag:$0x2], $0x4000, $0x38;
	[tilespmem:$0x1E800] =	vst v63  }
0x80: {  	_ =	swait.ge [sflag:s31], $0x4000  }
0x81: {  	[sflag:s31] =	ssyncset.done $0x0  }
0x82: {  	[sflag:s31] =	ssyncadd.s32 $0xFFFFC000  }
0x83: {  	[tilespmem:s29], [sflag:$0x5] =	stream.linear.gather [spmem:s22], $0x4000, $0x38;
	[tilespmem:$0x1E800] =	vst v63  }
0x84: {  	_ =	swait.ge [sflag:s28], $0x4000  }
0x85: {  	[sflag:s28] =	ssyncset.done $0x0  }
0x86: {  	s15 =	rddreg [dreg:$0xb];
	[sflag:s28] =	ssyncadd.s32 $0xFFFFC000  }
0x87: {  	[hbm4b:s15+s3] =	stream.linear.scatter [tilespmem:s29], [sflag:$0x1], $0x4000, $0x38;
	[tilespmem:$0x1E800] =	vst v63  }
0x88: {  	_ =	swait.ge [sflag:s31], $0x4000  }
0x89: {  	[sflag:s31] =	ssyncset.done $0x0  }
0x8a: {  	[sflag:s31] =	ssyncadd.s32 $0xFFFFC000  }
0x8b: {  	_ =	swait.ge [sflag:s4], $0x4000  }
0x8c: {  	[sflag:s4] =	ssyncset.done $0x0  }
0x8d: {  	[sflag:s4] =	ssyncadd.s32 $0xFFFFC000  }
0x8e: {  	[bflag:$0x0] =	sbarrier.arrive $0xFFFF  }
0x8f: {  	[tilespmem:s29], [sflag:$0x5] =	stream.linear.gather [hbm4b:s5+s3], $0x4000, $0x38;
	[tilespmem:$0x1E800] =	vst v63  }
0x90: {  	_ =	swait.ge [sflag:s28], $0x4000  }
0x91: {  	[sflag:s28] =	ssyncset.done $0x0  }
0x92: {  	[sflag:s28] =	ssyncadd.s32 $0xFFFFC000  }
0x93: {  	[spmem:s7] =	stream.linear.scatter [tilespmem:s29], [sflag:$0x5], $0x4000, $0x38;
	[tilespmem:$0x1E800] =	vst v63  }
0x94: {  	_ =	swait.ge [sflag:s28], $0x4000  }
0x95: {  	[sflag:s28] =	ssyncset.done $0x0  }
0x96: {  	[sflag:s28] =	ssyncadd.s32 $0xFFFFC000  }
0x97: {  	[spmem:s9] =	stream.linear.scatter [tilespmem:s29], [sflag:$0x5], $0x4000, $0x38;
	[tilespmem:$0x1E800] =	vst v63  }
0x98: {  	_ =	swait.ge [sflag:s28], $0x4000  }
0x99: {  	[sflag:s28] =	ssyncset.done $0x0  }
0x9a: {  	[sflag:s28] =	ssyncadd.s32 $0xFFFFC000  }
0x9b: {  	[spmem:s10] =	stream.linear.scatter [tilespmem:s29], [sflag:$0x5], $0x4000, $0x38;
	[tilespmem:$0x1E800] =	vst v63  }
0x9c: {  	_ =	swait.ge [sflag:s28], $0x4000  }
0x9d: {  	[sflag:s28] =	ssyncset.done $0x0  }
0x9e: {  	[sflag:s28] =	ssyncadd.s32 $0xFFFFC000  }
0x9f: {  	[spmem:s21] =	stream.linear.scatter [tilespmem:s29], [sflag:$0x5], $0x4000, $0x38;
	[tilespmem:$0x1E800] =	vst v63  }
0xa0: {  	_ =	swait.ge [sflag:s28], $0x4000  }
0xa1: {  	[sflag:s28] =	ssyncset.done $0x0  }
0xa2: {  	[sflag:s28] =	ssyncadd.s32 $0xFFFFC000  }
0xa3: {  	[spmem:s22] =	stream.linear.scatter [tilespmem:s29], [sflag:$0x5], $0x4000, $0x38;
	[tilespmem:$0x1E800] =	vst v63  }
0xa4: {  	_ =	swait.ge [sflag:s28], $0x4000  }
0xa5: {  	[sflag:s28] =	ssyncset.done $0x0  }
0xa6: {  	s25 =	rddreg [dreg:$0x5];
	[sflag:s28] =	ssyncadd.s32 $0xFFFFC000  }
0xa7: {  	[tilespmem:s30], [sflag:$0x5] =	stream.linear.gather [hbm4b:s25+s3], $0x4000, $0x38;
	[tilespmem:$0x1E800] =	vst v63  }
0xa8: {  	_ =	swait.ge [sflag:s28], $0x4000  }
0xa9: {  	[sflag:s28] =	ssyncset.done $0x0  }
0xaa: {  	[sflag:s28] =	ssyncadd.s32 $0xFFFFC000  }
0xab: {  	[bflag:$0x0] =	sbarrier.arrive $0xFFFF  }
0xac: {  	[spmem:s2] =	stream.indirect.scatter.add.f32 [tilespmem:s30], [sflag:$0x3], $0x80, s3, s0, $0xb8;
	[tilespmem:$0x1E800] =	vst v63  }
0xad: {  	_ = 	snop  }
0xae: {  	[spmem:s2] =	stream.indirect.scatter.add.f32 [tilespmem:s30], [sflag:$0x3], $0x80, s0, s0, $0xb8;
	[tilespmem:$0x1E800] =	vst v63  }
0xaf: {  	s14 =	simm.s32 $0x100  }
0xb0: {  	[spmem:s2] =	stream.indirect.scatter.add.f32 [tilespmem:s30], [sflag:$0x3], $0x80, s14, s0, $0xb8;
	[tilespmem:$0x1E800] =	vst v63  }
0xb1: {  	s15 =	simm.s32 $0x180  }
0xb2: {  	[spmem:s2] =	stream.indirect.scatter.add.f32 [tilespmem:s30], [sflag:$0x3], $0x80, s15, s0, $0xb8;
	[tilespmem:$0x1E800] =	vst v63  }
0xb3: {  	s25 =	simm.s32 $0x200  }
0xb4: {  	[spmem:s2] =	stream.indirect.scatter.add.f32 [tilespmem:s30], [sflag:$0x3], $0x80, s25, s0, $0xb8;
	[tilespmem:$0x1E800] =	vst v63  }
0xb5: {  	s14 =	simm.s32 $0x280  }
0xb6: {  	[spmem:s2] =	stream.indirect.scatter.add.f32 [tilespmem:s30], [sflag:$0x3], $0x80, s14, s0, $0xb8;
	[tilespmem:$0x1E800] =	vst v63  }
0xb7: {  	s15 =	simm.s32 $0x300  }
0xb8: {  	[spmem:s2] =	stream.indirect.scatter.add.f32 [tilespmem:s30], [sflag:$0x3], $0x80, s15, s0, $0xb8;
	[tilespmem:$0x1E800] =	vst v63  }
0xb9: {  	s25 =	simm.s32 $0x380  }
0xba: {  	[spmem:s2] =	stream.indirect.scatter.add.f32 [tilespmem:s30], [sflag:$0x3], $0x80, s25, s0, $0xb8;
	[tilespmem:$0x1E800] =	vst v63  }
0xbb: {  	_ =	swait.ge [sflag:s6], $0x4000  }
0xbc: {  	[sflag:s6] =	ssyncset.done $0x0  }
0xbd: {  	s12 =	simm.s32 $0x1200;
	s14 =	simm.s32 $0x400;
	[sflag:s6] =	ssyncadd.s32 $0xFFFFC000  }
.LBB2_4:
0xbe: {  	[spmem:s2] =	stream.indirect.scatter.add.f32 [tilespmem:s30], [sflag:$0x3], $0x80, s14, s0, $0xb8;
	[tilespmem:$0x1E800] =	vst v63  }
0xbf: {  	s14 =	smov.u32 s12;
	p0 =	sne.s32 s12, $0x9E00  }
.Ltmp1:
0xc0: {  	s12 =	sadd.s32 $0x200, s12;
	(pc) =	sbr.rel @p0 .LBB2_4-.Ltmp1, $4  }
0xc1: {  	_ = 	snop  }
0xc2: {  	_ =	swait.ge [sflag:s6], $0x4000  }
0xc3: {  	[sflag:s6] =	ssyncset.done $0x0  }
0xc4: {  	s14 =	sshra.s32 s14, $0x2;
	[sflag:s6] =	ssyncadd.s32 $0xFFFFC000  }
0xc5: {  	[spmem:s2] =	stream.indirect.scatter.add.f32 [tilespmem:s30], [sflag:$0x3], $0x80, s14, s0, $0xb8;
	[tilespmem:$0x1E800] =	vst v63  }
0xc6: {  	_ =	swait.ge [sflag:s6], $0x4000  }
0xc7: {  	[sflag:s6] =	ssyncset.done $0x0  }
0xc8: {  	[sflag:s6] =	ssyncadd.s32 $0xFFFFC000  }
0xc9: {  	_ =	swait.ge [sflag:s6], $0x4000  }
0xca: {  	[sflag:s6] =	ssyncset.done $0x0  }
0xcb: {  	[sflag:s6] =	ssyncadd.s32 $0xFFFFC000  }
0xcc: {  	_ =	swait.ge [sflag:s6], $0x4000  }
0xcd: {  	[sflag:s6] =	ssyncset.done $0x0  }
0xce: {  	[sflag:s6] =	ssyncadd.s32 $0xFFFFC000  }
0xcf: {  	_ =	swait.ge [sflag:s6], $0x4000  }
0xd0: {  	[sflag:s6] =	ssyncset.done $0x0  }
0xd1: {  	[sflag:s6] =	ssyncadd.s32 $0xFFFFC000  }
0xd2: {  	_ =	swait.ge [sflag:s6], $0x4000  }
0xd3: {  	[sflag:s6] =	ssyncset.done $0x0  }
0xd4: {  	[sflag:s6] =	ssyncadd.s32 $0xFFFFC000  }
0xd5: {  	_ =	swait.ge [sflag:s6], $0x4000  }
0xd6: {  	[sflag:s6] =	ssyncset.done $0x0  }
0xd7: {  	[sflag:s6] =	ssyncadd.s32 $0xFFFFC000  }
0xd8: {  	_ =	swait.ge [sflag:s6], $0x4000  }
0xd9: {  	[sflag:s6] =	ssyncset.done $0x0  }
0xda: {  	[sflag:s6] =	ssyncadd.s32 $0xFFFFC000  }
0xdb: {  	_ =	swait.ge [sflag:s6], $0x4000  }
0xdc: {  	[sflag:s6] =	ssyncset.done $0x0  }
0xdd: {  	[sflag:s6] =	ssyncadd.s32 $0xFFFFC000  }
0xde: {  	[bflag:$0x0] =	sbarrier.arrive $0xFFFF  }
0xdf: {  	[tilespmem:s29], [sflag:$0x5] =	stream.linear.gather [spmem:s7], $0x4000, $0x38;
	[tilespmem:$0x1E800] =	vst v63  }
0xe0: {  	_ =	swait.ge [sflag:s28], $0x4000  }
0xe1: {  	[sflag:s28] =	ssyncset.done $0x0  }
0xe2: {  	[sflag:s28] =	ssyncadd.s32 $0xFFFFC000  }
0xe3: {  	[hbm4b:s16+s3] =	stream.linear.scatter [tilespmem:s29], [sflag:$0x1], $0x4000, $0x38;
	[tilespmem:$0x1E800] =	vst v63  }
0xe4: {  	_ = 	snop  }
0xe5: {  	[tilespmem:s30], [sflag:$0x5] =	stream.linear.gather [spmem:s9], $0x4000, $0x38;
	[tilespmem:$0x1E800] =	vst v63  }
0xe6: {  	_ =	swait.ge [sflag:s28], $0x4000  }
0xe7: {  	[sflag:s28] =	ssyncset.done $0x0  }
0xe8: {  	[sflag:s28] =	ssyncadd.s32 $0xFFFFC000  }
0xe9: {  	[hbm4b:s17+s3] =	stream.linear.scatter [tilespmem:s30], [sflag:$0x2], $0x4000, $0x38;
	[tilespmem:$0x1E800] =	vst v63  }
0xea: {  	_ =	swait.ge [sflag:s31], $0x4000  }
0xeb: {  	[sflag:s31] =	ssyncset.done $0x0  }
0xec: {  	[sflag:s31] =	ssyncadd.s32 $0xFFFFC000  }
0xed: {  	[tilespmem:s29], [sflag:$0x5] =	stream.linear.gather [spmem:s10], $0x4000, $0x38;
	[tilespmem:$0x1E800] =	vst v63  }
0xee: {  	_ =	swait.ge [sflag:s28], $0x4000  }
0xef: {  	[sflag:s28] =	ssyncset.done $0x0  }
0xf0: {  	[sflag:s28] =	ssyncadd.s32 $0xFFFFC000  }
0xf1: {  	[hbm4b:s18+s3] =	stream.linear.scatter [tilespmem:s29], [sflag:$0x1], $0x4000, $0x38;
	[tilespmem:$0x1E800] =	vst v63  }
0xf2: {  	_ =	swait.ge [sflag:s4], $0x4000  }
0xf3: {  	[sflag:s4] =	ssyncset.done $0x0  }
0xf4: {  	[sflag:s4] =	ssyncadd.s32 $0xFFFFC000  }
0xf5: {  	[tilespmem:s30], [sflag:$0x5] =	stream.linear.gather [spmem:s21], $0x4000, $0x38;
	[tilespmem:$0x1E800] =	vst v63  }
0xf6: {  	_ =	swait.ge [sflag:s28], $0x4000  }
0xf7: {  	[sflag:s28] =	ssyncset.done $0x0  }
0xf8: {  	[sflag:s28] =	ssyncadd.s32 $0xFFFFC000  }
0xf9: {  	[hbm4b:s19+s3] =	stream.linear.scatter [tilespmem:s30], [sflag:$0x2], $0x4000, $0x38;
	[tilespmem:$0x1E800] =	vst v63  }
0xfa: {  	_ =	swait.ge [sflag:s31], $0x4000  }
0xfb: {  	[sflag:s31] =	ssyncset.done $0x0  }
0xfc: {  	[sflag:s31] =	ssyncadd.s32 $0xFFFFC000  }
0xfd: {  	[tilespmem:s29], [sflag:$0x5] =	stream.linear.gather [spmem:s22], $0x4000, $0x38;
	[tilespmem:$0x1E800] =	vst v63  }
0xfe: {  	_ =	swait.ge [sflag:s28], $0x4000  }
0xff: {  	[sflag:s28] =	ssyncset.done $0x0  }
0x100: {  	s11 =	sadd.s32 $0x1, s11;
	[sflag:s28] =	ssyncadd.s32 $0xFFFFC000  }
0x101: {  	[hbm4b:s20+s3] =	stream.linear.scatter [tilespmem:s29], [sflag:$0x1], $0x4000, $0x38;
	[tilespmem:$0x1E800] =	vst v63  }
0x102: {  	p0 =	sne.s32 s11, s24;
	_ =	swait.ge [sflag:s31], $0x4000  }
.Ltmp2:
0x103: {  	[sflag:s31] =	ssyncset.done $0x0;
	(pc) =	sbr.rel @p0 .LBB2_1-.Ltmp2, $4  }
0x104: {  	[sflag:s31] =	ssyncadd.s32 $0xFFFFC000  }
0x105: {  	_ =	swait.ge [sflag:s4], $0x4000  }
0x106: {  	[sflag:s4] =	ssyncset.done $0x0  }
0x107: {  	[sflag:s4] =	ssyncadd.s32 $0xFFFFC000  }
0x108: {  	_ =	sfence.sel $0x180000  }
0x109: {  	[bflag:$0x0] =	sbarrier.arrive $0xFFFF  }
0x10a: {  	_ =	strace $0x90000047  }
0x10b: {  	s0 =	stileid.u32;
	[bflag:$0x2] =	sbarrier.arrive $0xFFFF  }
0x10c: {  	p0 =	sne.s32 s0, $0x0;
	s0 =	rddreg [dreg:$0x4]  }
0x10d: {  	s0 =	sadd.s32 @!p0 $0x100000, s0  }
0x10e: {  	[sflag:s0] =	ssyncadd.tile.s32 @!p0 $0x1;
	_ =	shalt  }
.Lfunc_end2:
_tile_overlayer_lowered:
.L_overlay_start_2:
0x10f: {  	(tag) =	ssettag $0x2  }
0x110: {  	s0 =	rddreg [dreg:$0x0];
	s2 =	stileid.u32  }
0x111: {  	s1 =	rddreg [dreg:$0x1];
	p0 =	sne.s32 s2, $0x0  }
0x112: {  	s3 =	rddreg [dreg:$0x2];
	[bflag:$0x3] =	sbarrier.arrive $0xFFFF;
	s2 =	simm.s32 @!p0 $0x1C05  }
0x113: {  	[timem:s3], [sflag:s2] =	dma.local @!p0 [hbm:s0], s1  }
0x114: {  	s0 =	simm.s32 @!p0 $0x5  }
0x115: {  	_ =	swait.ge @!p0 [sflag:s0], s1  }
0x116: {  	s1 =	ssub.s32 @!p0 $0x0, s1;
	[sflag:s0] =	ssyncset.done @!p0 $0x0  }
0x117: {  	[sflag:s0] =	ssyncadd.s32 @!p0 s1  }
0x118: {  	[bflag:$0x3] =	sbarrier.arrive $0xFFFF  }
0x119: {  	_ =	shalt  }

</sc_bundles>
